<compile_context>
chip_gen: v7x
topology: tpu7x:2x2x1
jax: 0.10.2.dev20260603
libtpu: 0.0.44.dev20260713+nightly
codegen_flags: <defaults>
</compile_context>

<pallas_src>
import functools

import jax
import jax.numpy as jnp
from jax import lax
from jax.experimental import pallas as pl
from jax.experimental.pallas import tpu as pltpu
from jax.experimental.pallas import tpu_sc as plsc

N = 20000
C = 80
CG = 40
K = 1000
KPAD = 1024
NW = 16
KT = KPAD // NW
L = 16
BIG = 2 ** 30


def _dense_body(scores_ref, boxes_ref, idx_ref,
                mx_ref, ag_ref, cx_ref, cy_ref, w_ref, h_ref, pidx_ref,
                am_ref, aa_ref):
    g = pl.program_id(0)
    blk = scores_ref[0]
    m_g = jnp.max(blk, axis=0)
    rows = lax.broadcasted_iota(jnp.int32, (CG, N), 0) + CG * g
    cls_g = jnp.min(jnp.where(blk == m_g[None, :], rows, BIG), axis=0)

    @pl.when(g == 0)
    def _():
        am_ref[...] = m_g
        aa_ref[...] = cls_g
        cx_ref[...] = boxes_ref[0, 0, :]
        cy_ref[...] = boxes_ref[0, 1, :]
        w_ref[...] = boxes_ref[0, 2, :]
        h_ref[...] = boxes_ref[0, 3, :]
        col = idx_ref[0, :, 2]
        pidx_ref[...] = jnp.concatenate(
            [col, jnp.zeros((KPAD - K,), jnp.int32)])

    @pl.when(g > 0)
    def _():
        m0 = am_ref[...]
        better = m_g > m0
        aa_ref[...] = jnp.where(better, cls_g, aa_ref[...])
        am_ref[...] = jnp.where(better, m_g, m0)

    @pl.when(g == C // CG - 1)
    def _():
        mx_ref[...] = am_ref[...]
        ag_ref[...] = aa_ref[...]


def _dense_tc(idxTensor, boxes, scores):
    return pl.pallas_call(
        _dense_body,
        grid=(C // CG,),
        in_specs=[
            pl.BlockSpec((1, CG, N), lambda g: (0, g, 0)),
            pl.BlockSpec((1, 4, N), lambda g: (0, 0, 0)),
            pl.BlockSpec((1, K, 3), lambda g: (0, 0, 0)),
        ],
        out_specs=[pl.BlockSpec((N,), lambda g: (0,))] * 6
        + [pl.BlockSpec((KPAD,), lambda g: (0,))],
        out_shape=[
            jax.ShapeDtypeStruct((N,), jnp.float32),
            jax.ShapeDtypeStruct((N,), jnp.int32),
            jax.ShapeDtypeStruct((N,), jnp.float32),
            jax.ShapeDtypeStruct((N,), jnp.float32),
            jax.ShapeDtypeStruct((N,), jnp.float32),
            jax.ShapeDtypeStruct((N,), jnp.float32),
            jax.ShapeDtypeStruct((KPAD,), jnp.int32),
        ],
        scratch_shapes=[
            pltpu.VMEM((N,), jnp.float32),
            pltpu.VMEM((N,), jnp.int32),
        ],
    )(scores, boxes, idxTensor[None])


_mesh = plsc.VectorSubcoreMesh(core_axis_name="c", subcore_axis_name="s",
                               num_cores=1)


@functools.partial(
    pl.kernel,
    mesh=_mesh,
    out_type=[
        jax.ShapeDtypeStruct((4, KPAD), jnp.float32),
        jax.ShapeDtypeStruct((KPAD,), jnp.float32),
        jax.ShapeDtypeStruct((KPAD,), jnp.int32),
    ],
    scratch_types=[
        pltpu.VMEM((KT,), jnp.int32),
        pltpu.VMEM((KT,), jnp.float32),
        pltpu.VMEM((KT,), jnp.int32),
        pltpu.VMEM((4, KT), jnp.float32),
        pltpu.VMEM((4, KT), jnp.float32),
        pltpu.SemaphoreType.DMA,
        pltpu.SemaphoreType.DMA,
    ],
)
def _gather_sc(idx_hbm, mx_hbm, ag_hbm, cx_hbm, cy_hbm, w_hbm, h_hbm,
               bbox_hbm, score_hbm, cls_hbm,
               idx_v, mx_v, ag_v, bx_v, bb_v, sem, osem):
    base = lax.axis_index("s") * KT
    pltpu.sync_copy(idx_hbm.at[pl.ds(base, KT)], idx_v)
    box_copies = [
        pltpu.async_copy(cx_hbm.at[idx_v], bx_v.at[0], sem),
        pltpu.async_copy(cy_hbm.at[idx_v], bx_v.at[1], sem),
        pltpu.async_copy(w_hbm.at[idx_v], bx_v.at[2], sem),
        pltpu.async_copy(h_hbm.at[idx_v], bx_v.at[3], sem),
    ]
    sc_copies = [
        pltpu.async_copy(mx_hbm.at[idx_v], mx_v, osem),
        pltpu.async_copy(ag_hbm.at[idx_v], ag_v, osem),
    ]
    for cp in box_copies:
        cp.wait()
    for h in range(KT // L):
        s = pl.ds(h * L, L)
        cx = bx_v[0, s]
        cy = bx_v[1, s]
        w = bx_v[2, s]
        hh = bx_v[3, s]
        bb_v[0, s] = (cx - 0.5 * w) / 640.0
        bb_v[1, s] = (cy - 0.5 * hh) / 640.0
        bb_v[2, s] = (cx + 0.5 * w) / 640.0
        bb_v[3, s] = (cy + 0.5 * hh) / 640.0
    out = [
        pltpu.async_copy(bb_v.at[c], bbox_hbm.at[c, pl.ds(base, KT)], sem)
        for c in range(4)
    ]
    for cp in sc_copies:
        cp.wait()
    out.append(pltpu.async_copy(mx_v, score_hbm.at[pl.ds(base, KT)], sem))
    out.append(pltpu.async_copy(ag_v, cls_hbm.at[pl.ds(base, KT)], sem))
    for cp in out:
        cp.wait()


def kernel(idxTensor, boxes, scores):
    mx, ag, cx, cy, w, h, idx = _dense_tc(idxTensor.astype(jnp.int32),
                                          boxes, scores)
    bb, sc, cl = _gather_sc(idx, mx, ag, cx, cy, w, h)
    bbox = jnp.stack([bb[0, :K], bb[1, :K], bb[2, :K], bb[3, :K]], axis=-1)
    return bbox[None], sc[:K][None], cl[:K][None]

# --- scband reference (transcript-rebuilt; emitter-appended) ---
"""Pipeline reference for scband-postprocess-10771777978463 (READ-ONLY COPY).

The authoritative reference and input builder live on the scoring server;
editing this copy changes nothing except your own understanding.
"""

import jax, jax.numpy as jnp
import numpy as np

INPUT_SIZE = (640, 640)


def setup_inputs(seed: int = 0) -> dict:
    key = jax.random.key(seed)
    k1, k2, k3 = jax.random.split(key, 3)
    idxTensor = jax.random.randint(k1, (1000, 3), 0, 20000)
    boxes = jax.random.uniform(k2, (1, 4, 20000), dtype=jnp.float32)
    scores = jax.random.uniform(k3, (1, 80, 20000), dtype=jnp.float32)
    return {"idxTensor": idxTensor, "boxes": boxes, "scores": scores}


def _gather(target, idxTensor):
    # idxTensor[:, -1:] -> [K,1]; repeat to [K,C]; unsqueeze -> [1,K,C]
    pick = jnp.repeat(idxTensor[:, -1:], target.shape[1], axis=1)[None, :, :]
    # target [1,C,N] -> [1,N,C]; gather rows along axis 1
    tperm = jnp.transpose(target, (0, 2, 1))
    return jnp.take_along_axis(tperm, pick, axis=1)


def reference(idxTensor, boxes, scores):
    bbox = _gather(boxes, idxTensor)          # [1, K, 4] cxcywh
    sc = _gather(scores, idxTensor)           # [1, K, 80]
    score_result = jnp.max(sc, axis=-1)       # [1, K]
    classes_result = jnp.argmax(sc, axis=-1)  # [1, K]
    cx = bbox[..., 0]
    cy = bbox[..., 1]
    w = bbox[..., 2]
    h = bbox[..., 3]
    # cxcywh -> xyxy, then normalize x by input_size[0], y by input_size[1]
    x1 = (cx - 0.5 * w) / INPUT_SIZE[0]
    y1 = (cy - 0.5 * h) / INPUT_SIZE[1]
    x2 = (cx + 0.5 * w) / INPUT_SIZE[0]
    y2 = (cy + 0.5 * h) / INPUT_SIZE[1]
    bbox_result = jnp.stack([x1, y1, x2, y2], axis=-1)
    return bbox_result, score_result, classes_result

if __name__ == "__main__":
    import jax
    _d = setup_inputs()
    print(jax.jit(kernel)(*tuple(_d.values())))

</pallas_src>

<mosaic_0001>
#map = affine_map<(d0, d1) -> (0)>
#map1 = affine_map<(d0, d1) -> (0, 0)>
module attributes {stable_mosaic.version = 14 : i64} {
  func.func @_gather_sc(%arg0: i32, %arg1: i32, %arg2: memref<1024xi32, #tpu.memory_space<hbm>>, %arg3: memref<20000xf32, #tpu.memory_space<hbm>>, %arg4: memref<20000xi32, #tpu.memory_space<hbm>>, %arg5: memref<20000xf32, #tpu.memory_space<hbm>>, %arg6: memref<20000xf32, #tpu.memory_space<hbm>>, %arg7: memref<20000xf32, #tpu.memory_space<hbm>>, %arg8: memref<20000xf32, #tpu.memory_space<hbm>>, %arg9: memref<4x1024xf32, #tpu.memory_space<hbm>>, %arg10: memref<1024xf32, #tpu.memory_space<hbm>>, %arg11: memref<1024xi32, #tpu.memory_space<hbm>>, %arg12: memref<64xi32, #tpu.memory_space<vmem>>, %arg13: memref<64xf32, #tpu.memory_space<vmem>>, %arg14: memref<64xi32, #tpu.memory_space<vmem>>, %arg15: memref<4x64xf32, #tpu.memory_space<vmem>>, %arg16: memref<4x64xf32, #tpu.memory_space<vmem>>, %arg17: memref<!tpu.dma_semaphore, #tpu.memory_space<semaphore_mem>>, %arg18: memref<!tpu.dma_semaphore, #tpu.memory_space<semaphore_mem>>) attributes {dimension_semantics = [#tpu.dimension_semantics<core_parallel>, #tpu.dimension_semantics<subcore_parallel>], iteration_bounds = array<i64: 1, 16>, scalar_prefetch = 0 : i64, scratch_operands = 7 : i64, tpu.core_type = #tpu.core_type<sc_vector_subcore>, window_params = [{transform_indices = #map}, {transform_indices = #map}, {transform_indices = #map}, {transform_indices = #map}, {transform_indices = #map}, {transform_indices = #map}, {transform_indices = #map}, {transform_indices = #map1}, {transform_indices = #map}, {transform_indices = #map}]} {
    %mul3A = arith.constant 64 : i32
    %mul3A_0 = arith.muli %arg1, %mul3A : i32
    "tpu.region"() ({
      %run_scoped3A = tpu.sem_alloc : memref<!tpu.dma_semaphore, #tpu.memory_space<semaphore_mem>>
      %dma_start3A_442 = tpu.memref_slice %arg2[%mul3A_0] : memref<1024xi32, #tpu.memory_space<hbm>> -> memref<64xi32, #tpu.memory_space<hbm>>
      %dma_start3A_443 = tpu.memref_slice %arg2[%mul3A_0] : memref<1024xi32, #tpu.memory_space<hbm>> -> memref<64xi32, #tpu.memory_space<hbm>>
      tpu.enqueue_dma source(%dma_start3A_443 : memref<64xi32, #tpu.memory_space<hbm>>) target(%arg12 : memref<64xi32, #tpu.memory_space<vmem>>) target_semaphore(%run_scoped3A : memref<!tpu.dma_semaphore, #tpu.memory_space<semaphore_mem>>)
      %dma_wait3A_444 = tpu.memref_slice %arg2[%mul3A_0] : memref<1024xi32, #tpu.memory_space<hbm>> -> memref<64xi32, #tpu.memory_space<hbm>>
      %dma_wait3A_445 = tpu.memref_slice %arg2[%mul3A_0] : memref<1024xi32, #tpu.memory_space<hbm>> -> memref<64xi32, #tpu.memory_space<hbm>>
      tpu.wait_dma2 semaphore(%run_scoped3A : memref<!tpu.dma_semaphore, #tpu.memory_space<semaphore_mem>>) src(%dma_wait3A_445 : memref<64xi32, #tpu.memory_space<hbm>>) dst(%arg12 : memref<64xi32, #tpu.memory_space<vmem>>)
      tpu.yield
    }) : () -> ()
    %dma_start3A = arith.constant 0 : i32
    %dma_start3A_1 = arith.constant 0 : i32
    %dma_start3A_2 = tpu.memref_slice %arg15[%dma_start3A, %dma_start3A_1] : memref<4x64xf32, #tpu.memory_space<vmem>> -> memref<1x64xf32, #tpu.memory_space<vmem>>
    %dma_start3A_3 = tpu.memref_squeeze %dma_start3A_2 : memref<1x64xf32, #tpu.memory_space<vmem>> -> memref<64xf32, #tpu.memory_space<vmem>>
    %dma_start3A_4 = arith.constant 0 : i32
    %dma_start3A_5 = tpu.memref_slice %arg5[%dma_start3A_4] : memref<20000xf32, #tpu.memory_space<hbm>> -> memref<20000xf32, #tpu.memory_space<hbm>>
    tpu.enqueue_indirect_dma source(%dma_start3A_5 : memref<20000xf32, #tpu.memory_space<hbm>>) target(%dma_start3A_3 : memref<64xf32, #tpu.memory_space<vmem>>) offsets(%arg12 : memref<64xi32, #tpu.memory_space<vmem>>) semaphore(%arg17 : memref<!tpu.dma_semaphore, #tpu.memory_space<semaphore_mem>>)
    %dma_start3A_6 = arith.constant 1 : i32
    %dma_start3A_7 = arith.constant 0 : i32
    %dma_start3A_8 = tpu.memref_slice %arg15[%dma_start3A_6, %dma_start3A_7] : memref<4x64xf32, #tpu.memory_space<vmem>> -> memref<1x64xf32, #tpu.memory_space<vmem>>
    %dma_start3A_9 = tpu.memref_squeeze %dma_start3A_8 : memref<1x64xf32, #tpu.memory_space<vmem>> -> memref<64xf32, #tpu.memory_space<vmem>>
    %dma_start3A_10 = arith.constant 0 : i32
    %dma_start3A_11 = tpu.memref_slice %arg6[%dma_start3A_10] : memref<20000xf32, #tpu.memory_space<hbm>> -> memref<20000xf32, #tpu.memory_space<hbm>>
    tpu.enqueue_indirect_dma source(%dma_start3A_11 : memref<20000xf32, #tpu.memory_space<hbm>>) target(%dma_start3A_9 : memref<64xf32, #tpu.memory_space<vmem>>) offsets(%arg12 : memref<64xi32, #tpu.memory_space<vmem>>) semaphore(%arg17 : memref<!tpu.dma_semaphore, #tpu.memory_space<semaphore_mem>>)
    %dma_start3A_12 = arith.constant 2 : i32
    %dma_start3A_13 = arith.constant 0 : i32
    %dma_start3A_14 = tpu.memref_slice %arg15[%dma_start3A_12, %dma_start3A_13] : memref<4x64xf32, #tpu.memory_space<vmem>> -> memref<1x64xf32, #tpu.memory_space<vmem>>
    %dma_start3A_15 = tpu.memref_squeeze %dma_start3A_14 : memref<1x64xf32, #tpu.memory_space<vmem>> -> memref<64xf32, #tpu.memory_space<vmem>>
    %dma_start3A_16 = arith.constant 0 : i32
    %dma_start3A_17 = tpu.memref_slice %arg7[%dma_start3A_16] : memref<20000xf32, #tpu.memory_space<hbm>> -> memref<20000xf32, #tpu.memory_space<hbm>>
    tpu.enqueue_indirect_dma source(%dma_start3A_17 : memref<20000xf32, #tpu.memory_space<hbm>>) target(%dma_start3A_15 : memref<64xf32, #tpu.memory_space<vmem>>) offsets(%arg12 : memref<64xi32, #tpu.memory_space<vmem>>) semaphore(%arg17 : memref<!tpu.dma_semaphore, #tpu.memory_space<semaphore_mem>>)
    %dma_start3A_18 = arith.constant 3 : i32
    %dma_start3A_19 = arith.constant 0 : i32
    %dma_start3A_20 = tpu.memref_slice %arg15[%dma_start3A_18, %dma_start3A_19] : memref<4x64xf32, #tpu.memory_space<vmem>> -> memref<1x64xf32, #tpu.memory_space<vmem>>
    %dma_start3A_21 = tpu.memref_squeeze %dma_start3A_20 : memref<1x64xf32, #tpu.memory_space<vmem>> -> memref<64xf32, #tpu.memory_space<vmem>>
    %dma_start3A_22 = arith.constant 0 : i32
    %dma_start3A_23 = tpu.memref_slice %arg8[%dma_start3A_22] : memref<20000xf32, #tpu.memory_space<hbm>> -> memref<20000xf32, #tpu.memory_space<hbm>>
    tpu.enqueue_indirect_dma source(%dma_start3A_23 : memref<20000xf32, #tpu.memory_space<hbm>>) target(%dma_start3A_21 : memref<64xf32, #tpu.memory_space<vmem>>) offsets(%arg12 : memref<64xi32, #tpu.memory_space<vmem>>) semaphore(%arg17 : memref<!tpu.dma_semaphore, #tpu.memory_space<semaphore_mem>>)
    %dma_start3A_24 = arith.constant 0 : i32
    %dma_start3A_25 = tpu.memref_slice %arg3[%dma_start3A_24] : memref<20000xf32, #tpu.memory_space<hbm>> -> memref<20000xf32, #tpu.memory_space<hbm>>
    tpu.enqueue_indirect_dma source(%dma_start3A_25 : memref<20000xf32, #tpu.memory_space<hbm>>) target(%arg13 : memref<64xf32, #tpu.memory_space<vmem>>) offsets(%arg12 : memref<64xi32, #tpu.memory_space<vmem>>) semaphore(%arg18 : memref<!tpu.dma_semaphore, #tpu.memory_space<semaphore_mem>>)
    %dma_start3A_26 = arith.constant 0 : i32
    %dma_start3A_27 = tpu.memref_slice %arg4[%dma_start3A_26] : memref<20000xi32, #tpu.memory_space<hbm>> -> memref<20000xi32, #tpu.memory_space<hbm>>
    tpu.enqueue_indirect_dma source(%dma_start3A_27 : memref<20000xi32, #tpu.memory_space<hbm>>) target(%arg14 : memref<64xi32, #tpu.memory_space<vmem>>) offsets(%arg12 : memref<64xi32, #tpu.memory_space<vmem>>) semaphore(%arg18 : memref<!tpu.dma_semaphore, #tpu.memory_space<semaphore_mem>>)
    %dma_wait3A = arith.constant 0 : i32
    %dma_wait3A_28 = arith.constant 0 : i32
    %dma_wait3A_29 = tpu.memref_slice %arg15[%dma_wait3A, %dma_wait3A_28] : memref<4x64xf32, #tpu.memory_space<vmem>> -> memref<1x64xf32, #tpu.memory_space<vmem>>
    %dma_wait3A_30 = tpu.memref_squeeze %dma_wait3A_29 : memref<1x64xf32, #tpu.memory_space<vmem>> -> memref<64xf32, #tpu.memory_space<vmem>>
    %dma_wait3A_31 = arith.constant 0 : i32
    %dma_wait3A_32 = tpu.memref_slice %arg5[%dma_wait3A_31] : memref<20000xf32, #tpu.memory_space<hbm>> -> memref<20000xf32, #tpu.memory_space<hbm>>
    tpu.wait_indirect_dma semaphore(%arg17 : memref<!tpu.dma_semaphore, #tpu.memory_space<semaphore_mem>>) src(%dma_wait3A_32 : memref<20000xf32, #tpu.memory_space<hbm>>) dst(%dma_wait3A_30 : memref<64xf32, #tpu.memory_space<vmem>>)
    %dma_wait3A_33 = arith.constant 1 : i32
    %dma_wait3A_34 = arith.constant 0 : i32
    %dma_wait3A_35 = tpu.memref_slice %arg15[%dma_wait3A_33, %dma_wait3A_34] : memref<4x64xf32, #tpu.memory_space<vmem>> -> memref<1x64xf32, #tpu.memory_space<vmem>>
    %dma_wait3A_36 = tpu.memref_squeeze %dma_wait3A_35 : memref<1x64xf32, #tpu.memory_space<vmem>> -> memref<64xf32, #tpu.memory_space<vmem>>
    %dma_wait3A_37 = arith.constant 0 : i32
    %dma_wait3A_38 = tpu.memref_slice %arg6[%dma_wait3A_37] : memref<20000xf32, #tpu.memory_space<hbm>> -> memref<20000xf32, #tpu.memory_space<hbm>>
    tpu.wait_indirect_dma semaphore(%arg17 : memref<!tpu.dma_semaphore, #tpu.memory_space<semaphore_mem>>) src(%dma_wait3A_38 : memref<20000xf32, #tpu.memory_space<hbm>>) dst(%dma_wait3A_36 : memref<64xf32, #tpu.memory_space<vmem>>)
    %dma_wait3A_39 = arith.constant 2 : i32
    %dma_wait3A_40 = arith.constant 0 : i32
    %dma_wait3A_41 = tpu.memref_slice %arg15[%dma_wait3A_39, %dma_wait3A_40] : memref<4x64xf32, #tpu.memory_space<vmem>> -> memref<1x64xf32, #tpu.memory_space<vmem>>
    %dma_wait3A_42 = tpu.memref_squeeze %dma_wait3A_41 : memref<1x64xf32, #tpu.memory_space<vmem>> -> memref<64xf32, #tpu.memory_space<vmem>>
    %dma_wait3A_43 = arith.constant 0 : i32
    %dma_wait3A_44 = tpu.memref_slice %arg7[%dma_wait3A_43] : memref<20000xf32, #tpu.memory_space<hbm>> -> memref<20000xf32, #tpu.memory_space<hbm>>
    tpu.wait_indirect_dma semaphore(%arg17 : memref<!tpu.dma_semaphore, #tpu.memory_space<semaphore_mem>>) src(%dma_wait3A_44 : memref<20000xf32, #tpu.memory_space<hbm>>) dst(%dma_wait3A_42 : memref<64xf32, #tpu.memory_space<vmem>>)
    %dma_wait3A_45 = arith.constant 3 : i32
    %dma_wait3A_46 = arith.constant 0 : i32
    %dma_wait3A_47 = tpu.memref_slice %arg15[%dma_wait3A_45, %dma_wait3A_46] : memref<4x64xf32, #tpu.memory_space<vmem>> -> memref<1x64xf32, #tpu.memory_space<vmem>>
    %dma_wait3A_48 = tpu.memref_squeeze %dma_wait3A_47 : memref<1x64xf32, #tpu.memory_space<vmem>> -> memref<64xf32, #tpu.memory_space<vmem>>
    %dma_wait3A_49 = arith.constant 0 : i32
    %dma_wait3A_50 = tpu.memref_slice %arg8[%dma_wait3A_49] : memref<20000xf32, #tpu.memory_space<hbm>> -> memref<20000xf32, #tpu.memory_space<hbm>>
    tpu.wait_indirect_dma semaphore(%arg17 : memref<!tpu.dma_semaphore, #tpu.memory_space<semaphore_mem>>) src(%dma_wait3A_50 : memref<20000xf32, #tpu.memory_space<hbm>>) dst(%dma_wait3A_48 : memref<64xf32, #tpu.memory_space<vmem>>)
    %get3A = arith.constant 0 : i32
    %get3A_51 = arith.index_cast %get3A : i32 to index
    %get3A_52 = arith.constant 0 : index
    %get3A_53 = tpu.vector_load %arg15[%get3A_51, %get3A_52] {strides = array<i32>} : memref<4x64xf32, #tpu.memory_space<vmem>>, vector<1x16xf32>,
    %get3A_54 = vector.shape_cast %get3A_53 : vector<1x16xf32> to vector<16xf32>
    %get3A_55 = arith.constant 1 : i32
    %get3A_56 = arith.index_cast %get3A_55 : i32 to index
    %get3A_57 = arith.constant 0 : index
    %get3A_58 = tpu.vector_load %arg15[%get3A_56, %get3A_57] {strides = array<i32>} : memref<4x64xf32, #tpu.memory_space<vmem>>, vector<1x16xf32>,
    %get3A_59 = vector.shape_cast %get3A_58 : vector<1x16xf32> to vector<16xf32>
    %get3A_60 = arith.constant 2 : i32
    %get3A_61 = arith.index_cast %get3A_60 : i32 to index
    %get3A_62 = arith.constant 0 : index
    %get3A_63 = tpu.vector_load %arg15[%get3A_61, %get3A_62] {strides = array<i32>} : memref<4x64xf32, #tpu.memory_space<vmem>>, vector<1x16xf32>,
    %get3A_64 = vector.shape_cast %get3A_63 : vector<1x16xf32> to vector<16xf32>
    %get3A_65 = arith.constant 3 : i32
    %get3A_66 = arith.index_cast %get3A_65 : i32 to index
    %get3A_67 = arith.constant 0 : index
    %get3A_68 = tpu.vector_load %arg15[%get3A_66, %get3A_67] {strides = array<i32>} : memref<4x64xf32, #tpu.memory_space<vmem>>, vector<1x16xf32>,
    %get3A_69 = vector.shape_cast %get3A_68 : vector<1x16xf32> to vector<16xf32>
    %mul3A_70 = arith.constant 5.000000e-01 : f32
    %mul3A_71 = vector.broadcast %mul3A_70 : f32 to vector<16xf32>
    %mul3A_72 = arith.mulf %mul3A_71, %get3A_64 : vector<16xf32>
    %sub3A = arith.subf %get3A_54, %mul3A_72 : vector<16xf32>
    %div3A = arith.constant 6.400000e+02 : f32
    %div3A_73 = vector.broadcast %div3A : f32 to vector<16xf32>
    %div3A_74 = arith.divf %sub3A, %div3A_73 : vector<16xf32>
    %swap3A = arith.constant 0 : i32
    %swap3A_75 = arith.index_cast %swap3A : i32 to index
    %swap3A_76 = arith.constant 0 : index
    %swap3A_77 = tpu.vector_load %arg16[%swap3A_75, %swap3A_76] {strides = array<i32>} : memref<4x64xf32, #tpu.memory_space<vmem>>, vector<1x16xf32>,
    %swap3A_78 = vector.shape_cast %swap3A_77 : vector<1x16xf32> to vector<16xf32>
    %swap3A_79 = vector.shape_cast %div3A_74 : vector<16xf32> to vector<1x16xf32>
    tpu.vector_store %arg16[%swap3A_75, %swap3A_76], %swap3A_79 {strides = array<i32>} : memref<4x64xf32, #tpu.memory_space<vmem>>, vector<1x16xf32>,
    %mul3A_80 = arith.constant 5.000000e-01 : f32
    %mul3A_81 = vector.broadcast %mul3A_80 : f32 to vector<16xf32>
    %mul3A_82 = arith.mulf %mul3A_81, %get3A_69 : vector<16xf32>
    %sub3A_83 = arith.subf %get3A_59, %mul3A_82 : vector<16xf32>
    %div3A_84 = arith.constant 6.400000e+02 : f32
    %div3A_85 = vector.broadcast %div3A_84 : f32 to vector<16xf32>
    %div3A_86 = arith.divf %sub3A_83, %div3A_85 : vector<16xf32>
    %swap3A_87 = arith.constant 1 : i32
    %swap3A_88 = arith.index_cast %swap3A_87 : i32 to index
    %swap3A_89 = arith.constant 0 : index
    %swap3A_90 = tpu.vector_load %arg16[%swap3A_88, %swap3A_89] {strides = array<i32>} : memref<4x64xf32, #tpu.memory_space<vmem>>, vector<1x16xf32>,
    %swap3A_91 = vector.shape_cast %swap3A_90 : vector<1x16xf32> to vector<16xf32>
    %swap3A_92 = vector.shape_cast %div3A_86 : vector<16xf32> to vector<1x16xf32>
    tpu.vector_store %arg16[%swap3A_88, %swap3A_89], %swap3A_92 {strides = array<i32>} : memref<4x64xf32, #tpu.memory_space<vmem>>, vector<1x16xf32>,
    %mul3A_93 = arith.constant 5.000000e-01 : f32
    %mul3A_94 = vector.broadcast %mul3A_93 : f32 to vector<16xf32>
    %mul3A_95 = arith.mulf %mul3A_94, %get3A_64 : vector<16xf32>
    %add3A = arith.addf %get3A_54, %mul3A_95 : vector<16xf32>
    %div3A_96 = arith.constant 6.400000e+02 : f32
    %div3A_97 = vector.broadcast %div3A_96 : f32 to vector<16xf32>
    %div3A_98 = arith.divf %add3A, %div3A_97 : vector<16xf32>
    %swap3A_99 = arith.constant 2 : i32
    %swap3A_100 = arith.index_cast %swap3A_99 : i32 to index
    %swap3A_101 = arith.constant 0 : index
    %swap3A_102 = tpu.vector_load %arg16[%swap3A_100, %swap3A_101] {strides = array<i32>} : memref<4x64xf32, #tpu.memory_space<vmem>>, vector<1x16xf32>,
    %swap3A_103 = vector.shape_cast %swap3A_102 : vector<1x16xf32> to vector<16xf32>
    %swap3A_104 = vector.shape_cast %div3A_98 : vector<16xf32> to vector<1x16xf32>
    tpu.vector_store %arg16[%swap3A_100, %swap3A_101], %swap3A_104 {strides = array<i32>} : memref<4x64xf32, #tpu.memory_space<vmem>>, vector<1x16xf32>,
    %mul3A_105 = arith.constant 5.000000e-01 : f32
    %mul3A_106 = vector.broadcast %mul3A_105 : f32 to vector<16xf32>
    %mul3A_107 = arith.mulf %mul3A_106, %get3A_69 : vector<16xf32>
    %add3A_108 = arith.addf %get3A_59, %mul3A_107 : vector<16xf32>
    %div3A_109 = arith.constant 6.400000e+02 : f32
    %div3A_110 = vector.broadcast %div3A_109 : f32 to vector<16xf32>
    %div3A_111 = arith.divf %add3A_108, %div3A_110 : vector<16xf32>
    %swap3A_112 = arith.constant 3 : i32
    %swap3A_113 = arith.index_cast %swap3A_112 : i32 to index
    %swap3A_114 = arith.constant 0 : index
    %swap3A_115 = tpu.vector_load %arg16[%swap3A_113, %swap3A_114] {strides = array<i32>} : memref<4x64xf32, #tpu.memory_space<vmem>>, vector<1x16xf32>,
    %swap3A_116 = vector.shape_cast %swap3A_115 : vector<1x16xf32> to vector<16xf32>
    %swap3A_117 = vector.shape_cast %div3A_111 : vector<16xf32> to vector<1x16xf32>
    tpu.vector_store %arg16[%swap3A_113, %swap3A_114], %swap3A_117 {strides = array<i32>} : memref<4x64xf32, #tpu.memory_space<vmem>>, vector<1x16xf32>,
    %get3A_118 = arith.constant 0 : i32
    %get3A_119 = arith.index_cast %get3A_118 : i32 to index
    %get3A_120 = arith.constant 16 : index
    %get3A_121 = tpu.vector_load %arg15[%get3A_119, %get3A_120] {strides = array<i32>} : memref<4x64xf32, #tpu.memory_space<vmem>>, vector<1x16xf32>,
    %get3A_122 = vector.shape_cast %get3A_121 : vector<1x16xf32> to vector<16xf32>
    %get3A_123 = arith.constant 1 : i32
    %get3A_124 = arith.index_cast %get3A_123 : i32 to index
    %get3A_125 = arith.constant 16 : index
    %get3A_126 = tpu.vector_load %arg15[%get3A_124, %get3A_125] {strides = array<i32>} : memref<4x64xf32, #tpu.memory_space<vmem>>, vector<1x16xf32>,
    %get3A_127 = vector.shape_cast %get3A_126 : vector<1x16xf32> to vector<16xf32>
    %get3A_128 = arith.constant 2 : i32
    %get3A_129 = arith.index_cast %get3A_128 : i32 to index
    %get3A_130 = arith.constant 16 : index
    %get3A_131 = tpu.vector_load %arg15[%get3A_129, %get3A_130] {strides = array<i32>} : memref<4x64xf32, #tpu.memory_space<vmem>>, vector<1x16xf32>,
    %get3A_132 = vector.shape_cast %get3A_131 : vector<1x16xf32> to vector<16xf32>
    %get3A_133 = arith.constant 3 : i32
    %get3A_134 = arith.index_cast %get3A_133 : i32 to index
    %get3A_135 = arith.constant 16 : index
    %get3A_136 = tpu.vector_load %arg15[%get3A_134, %get3A_135] {strides = array<i32>} : memref<4x64xf32, #tpu.memory_space<vmem>>, vector<1x16xf32>,
    %get3A_137 = vector.shape_cast %get3A_136 : vector<1x16xf32> to vector<16xf32>
    %mul3A_138 = arith.constant 5.000000e-01 : f32
    %mul3A_139 = vector.broadcast %mul3A_138 : f32 to vector<16xf32>
    %mul3A_140 = arith.mulf %mul3A_139, %get3A_132 : vector<16xf32>
    %sub3A_141 = arith.subf %get3A_122, %mul3A_140 : vector<16xf32>
    %div3A_142 = arith.constant 6.400000e+02 : f32
    %div3A_143 = vector.broadcast %div3A_142 : f32 to vector<16xf32>
    %div3A_144 = arith.divf %sub3A_141, %div3A_143 : vector<16xf32>
    %swap3A_145 = arith.constant 0 : i32
    %swap3A_146 = arith.index_cast %swap3A_145 : i32 to index
    %swap3A_147 = arith.constant 16 : index
    %swap3A_148 = tpu.vector_load %arg16[%swap3A_146, %swap3A_147] {strides = array<i32>} : memref<4x64xf32, #tpu.memory_space<vmem>>, vector<1x16xf32>,
    %swap3A_149 = vector.shape_cast %swap3A_148 : vector<1x16xf32> to vector<16xf32>
    %swap3A_150 = vector.shape_cast %div3A_144 : vector<16xf32> to vector<1x16xf32>
    tpu.vector_store %arg16[%swap3A_146, %swap3A_147], %swap3A_150 {strides = array<i32>} : memref<4x64xf32, #tpu.memory_space<vmem>>, vector<1x16xf32>,
    %mul3A_151 = arith.constant 5.000000e-01 : f32
    %mul3A_152 = vector.broadcast %mul3A_151 : f32 to vector<16xf32>
    %mul3A_153 = arith.mulf %mul3A_152, %get3A_137 : vector<16xf32>
    %sub3A_154 = arith.subf %get3A_127, %mul3A_153 : vector<16xf32>
    %div3A_155 = arith.constant 6.400000e+02 : f32
    %div3A_156 = vector.broadcast %div3A_155 : f32 to vector<16xf32>
    %div3A_157 = arith.divf %sub3A_154, %div3A_156 : vector<16xf32>
    %swap3A_158 = arith.constant 1 : i32
    %swap3A_159 = arith.index_cast %swap3A_158 : i32 to index
    %swap3A_160 = arith.constant 16 : index
    %swap3A_161 = tpu.vector_load %arg16[%swap3A_159, %swap3A_160] {strides = array<i32>} : memref<4x64xf32, #tpu.memory_space<vmem>>, vector<1x16xf32>,
    %swap3A_162 = vector.shape_cast %swap3A_161 : vector<1x16xf32> to vector<16xf32>
    %swap3A_163 = vector.shape_cast %div3A_157 : vector<16xf32> to vector<1x16xf32>
    tpu.vector_store %arg16[%swap3A_159, %swap3A_160], %swap3A_163 {strides = array<i32>} : memref<4x64xf32, #tpu.memory_space<vmem>>, vector<1x16xf32>,
    %mul3A_164 = arith.constant 5.000000e-01 : f32
    %mul3A_165 = vector.broadcast %mul3A_164 : f32 to vector<16xf32>
    %mul3A_166 = arith.mulf %mul3A_165, %get3A_132 : vector<16xf32>
    %add3A_167 = arith.addf %get3A_122, %mul3A_166 : vector<16xf32>
    %div3A_168 = arith.constant 6.400000e+02 : f32
    %div3A_169 = vector.broadcast %div3A_168 : f32 to vector<16xf32>
    %div3A_170 = arith.divf %add3A_167, %div3A_169 : vector<16xf32>
    %swap3A_171 = arith.constant 2 : i32
    %swap3A_172 = arith.index_cast %swap3A_171 : i32 to index
    %swap3A_173 = arith.constant 16 : index
    %swap3A_174 = tpu.vector_load %arg16[%swap3A_172, %swap3A_173] {strides = array<i32>} : memref<4x64xf32, #tpu.memory_space<vmem>>, vector<1x16xf32>,
    %swap3A_175 = vector.shape_cast %swap3A_174 : vector<1x16xf32> to vector<16xf32>
    %swap3A_176 = vector.shape_cast %div3A_170 : vector<16xf32> to vector<1x16xf32>
    tpu.vector_store %arg16[%swap3A_172, %swap3A_173], %swap3A_176 {strides = array<i32>} : memref<4x64xf32, #tpu.memory_space<vmem>>, vector<1x16xf32>,
    %mul3A_177 = arith.constant 5.000000e-01 : f32
    %mul3A_178 = vector.broadcast %mul3A_177 : f32 to vector<16xf32>
    %mul3A_179 = arith.mulf %mul3A_178, %get3A_137 : vector<16xf32>
    %add3A_180 = arith.addf %get3A_127, %mul3A_179 : vector<16xf32>
    %div3A_181 = arith.constant 6.400000e+02 : f32
    %div3A_182 = vector.broadcast %div3A_181 : f32 to vector<16xf32>
    %div3A_183 = arith.divf %add3A_180, %div3A_182 : vector<16xf32>
    %swap3A_184 = arith.constant 3 : i32
    %swap3A_185 = arith.index_cast %swap3A_184 : i32 to index
    %swap3A_186 = arith.constant 16 : index
    %swap3A_187 = tpu.vector_load %arg16[%swap3A_185, %swap3A_186] {strides = array<i32>} : memref<4x64xf32, #tpu.memory_space<vmem>>, vector<1x16xf32>,
    %swap3A_188 = vector.shape_cast %swap3A_187 : vector<1x16xf32> to vector<16xf32>
    %swap3A_189 = vector.shape_cast %div3A_183 : vector<16xf32> to vector<1x16xf32>
    tpu.vector_store %arg16[%swap3A_185, %swap3A_186], %swap3A_189 {strides = array<i32>} : memref<4x64xf32, #tpu.memory_space<vmem>>, vector<1x16xf32>,
    %get3A_190 = arith.constant 0 : i32
    %get3A_191 = arith.index_cast %get3A_190 : i32 to index
    %get3A_192 = arith.constant 32 : index
    %get3A_193 = tpu.vector_load %arg15[%get3A_191, %get3A_192] {strides = array<i32>} : memref<4x64xf32, #tpu.memory_space<vmem>>, vector<1x16xf32>,
    %get3A_194 = vector.shape_cast %get3A_193 : vector<1x16xf32> to vector<16xf32>
    %get3A_195 = arith.constant 1 : i32
    %get3A_196 = arith.index_cast %get3A_195 : i32 to index
    %get3A_197 = arith.constant 32 : index
    %get3A_198 = tpu.vector_load %arg15[%get3A_196, %get3A_197] {strides = array<i32>} : memref<4x64xf32, #tpu.memory_space<vmem>>, vector<1x16xf32>,
    %get3A_199 = vector.shape_cast %get3A_198 : vector<1x16xf32> to vector<16xf32>
    %get3A_200 = arith.constant 2 : i32
    %get3A_201 = arith.index_cast %get3A_200 : i32 to index
    %get3A_202 = arith.constant 32 : index
    %get3A_203 = tpu.vector_load %arg15[%get3A_201, %get3A_202] {strides = array<i32>} : memref<4x64xf32, #tpu.memory_space<vmem>>, vector<1x16xf32>,
    %get3A_204 = vector.shape_cast %get3A_203 : vector<1x16xf32> to vector<16xf32>
    %get3A_205 = arith.constant 3 : i32
    %get3A_206 = arith.index_cast %get3A_205 : i32 to index
    %get3A_207 = arith.constant 32 : index
    %get3A_208 = tpu.vector_load %arg15[%get3A_206, %get3A_207] {strides = array<i32>} : memref<4x64xf32, #tpu.memory_space<vmem>>, vector<1x16xf32>,
    %get3A_209 = vector.shape_cast %get3A_208 : vector<1x16xf32> to vector<16xf32>
    %mul3A_210 = arith.constant 5.000000e-01 : f32
    %mul3A_211 = vector.broadcast %mul3A_210 : f32 to vector<16xf32>
    %mul3A_212 = arith.mulf %mul3A_211, %get3A_204 : vector<16xf32>
    %sub3A_213 = arith.subf %get3A_194, %mul3A_212 : vector<16xf32>
    %div3A_214 = arith.constant 6.400000e+02 : f32
    %div3A_215 = vector.broadcast %div3A_214 : f32 to vector<16xf32>
    %div3A_216 = arith.divf %sub3A_213, %div3A_215 : vector<16xf32>
    %swap3A_217 = arith.constant 0 : i32
    %swap3A_218 = arith.index_cast %swap3A_217 : i32 to index
    %swap3A_219 = arith.constant 32 : index
    %swap3A_220 = tpu.vector_load %arg16[%swap3A_218, %swap3A_219] {strides = array<i32>} : memref<4x64xf32, #tpu.memory_space<vmem>>, vector<1x16xf32>,
    %swap3A_221 = vector.shape_cast %swap3A_220 : vector<1x16xf32> to vector<16xf32>
    %swap3A_222 = vector.shape_cast %div3A_216 : vector<16xf32> to vector<1x16xf32>
    tpu.vector_store %arg16[%swap3A_218, %swap3A_219], %swap3A_222 {strides = array<i32>} : memref<4x64xf32, #tpu.memory_space<vmem>>, vector<1x16xf32>,
    %mul3A_223 = arith.constant 5.000000e-01 : f32
    %mul3A_224 = vector.broadcast %mul3A_223 : f32 to vector<16xf32>
    %mul3A_225 = arith.mulf %mul3A_224, %get3A_209 : vector<16xf32>
    %sub3A_226 = arith.subf %get3A_199, %mul3A_225 : vector<16xf32>
    %div3A_227 = arith.constant 6.400000e+02 : f32
    %div3A_228 = vector.broadcast %div3A_227 : f32 to vector<16xf32>
    %div3A_229 = arith.divf %sub3A_226, %div3A_228 : vector<16xf32>
    %swap3A_230 = arith.constant 1 : i32
    %swap3A_231 = arith.index_cast %swap3A_230 : i32 to index
    %swap3A_232 = arith.constant 32 : index
    %swap3A_233 = tpu.vector_load %arg16[%swap3A_231, %swap3A_232] {strides = array<i32>} : memref<4x64xf32, #tpu.memory_space<vmem>>, vector<1x16xf32>,
    %swap3A_234 = vector.shape_cast %swap3A_233 : vector<1x16xf32> to vector<16xf32>
    %swap3A_235 = vector.shape_cast %div3A_229 : vector<16xf32> to vector<1x16xf32>
    tpu.vector_store %arg16[%swap3A_231, %swap3A_232], %swap3A_235 {strides = array<i32>} : memref<4x64xf32, #tpu.memory_space<vmem>>, vector<1x16xf32>,
    %mul3A_236 = arith.constant 5.000000e-01 : f32
    %mul3A_237 = vector.broadcast %mul3A_236 : f32 to vector<16xf32>
    %mul3A_238 = arith.mulf %mul3A_237, %get3A_204 : vector<16xf32>
    %add3A_239 = arith.addf %get3A_194, %mul3A_238 : vector<16xf32>
    %div3A_240 = arith.constant 6.400000e+02 : f32
    %div3A_241 = vector.broadcast %div3A_240 : f32 to vector<16xf32>
    %div3A_242 = arith.divf %add3A_239, %div3A_241 : vector<16xf32>
    %swap3A_243 = arith.constant 2 : i32
    %swap3A_244 = arith.index_cast %swap3A_243 : i32 to index
    %swap3A_245 = arith.constant 32 : index
    %swap3A_246 = tpu.vector_load %arg16[%swap3A_244, %swap3A_245] {strides = array<i32>} : memref<4x64xf32, #tpu.memory_space<vmem>>, vector<1x16xf32>,
    %swap3A_247 = vector.shape_cast %swap3A_246 : vector<1x16xf32> to vector<16xf32>
    %swap3A_248 = vector.shape_cast %div3A_242 : vector<16xf32> to vector<1x16xf32>
    tpu.vector_store %arg16[%swap3A_244, %swap3A_245], %swap3A_248 {strides = array<i32>} : memref<4x64xf32, #tpu.memory_space<vmem>>, vector<1x16xf32>,
    %mul3A_249 = arith.constant 5.000000e-01 : f32
    %mul3A_250 = vector.broadcast %mul3A_249 : f32 to vector<16xf32>
    %mul3A_251 = arith.mulf %mul3A_250, %get3A_209 : vector<16xf32>
    %add3A_252 = arith.addf %get3A_199, %mul3A_251 : vector<16xf32>
    %div3A_253 = arith.constant 6.400000e+02 : f32
    %div3A_254 = vector.broadcast %div3A_253 : f32 to vector<16xf32>
    %div3A_255 = arith.divf %add3A_252, %div3A_254 : vector<16xf32>
    %swap3A_256 = arith.constant 3 : i32
    %swap3A_257 = arith.index_cast %swap3A_256 : i32 to index
    %swap3A_258 = arith.constant 32 : index
    %swap3A_259 = tpu.vector_load %arg16[%swap3A_257, %swap3A_258] {strides = array<i32>} : memref<4x64xf32, #tpu.memory_space<vmem>>, vector<1x16xf32>,
    %swap3A_260 = vector.shape_cast %swap3A_259 : vector<1x16xf32> to vector<16xf32>
    %swap3A_261 = vector.shape_cast %div3A_255 : vector<16xf32> to vector<1x16xf32>
    tpu.vector_store %arg16[%swap3A_257, %swap3A_258], %swap3A_261 {strides = array<i32>} : memref<4x64xf32, #tpu.memory_space<vmem>>, vector<1x16xf32>,
    %get3A_262 = arith.constant 0 : i32
    %get3A_263 = arith.index_cast %get3A_262 : i32 to index
    %get3A_264 = arith.constant 48 : index
    %get3A_265 = tpu.vector_load %arg15[%get3A_263, %get3A_264] {strides = array<i32>} : memref<4x64xf32, #tpu.memory_space<vmem>>, vector<1x16xf32>,
    %get3A_266 = vector.shape_cast %get3A_265 : vector<1x16xf32> to vector<16xf32>
    %get3A_267 = arith.constant 1 : i32
    %get3A_268 = arith.index_cast %get3A_267 : i32 to index
    %get3A_269 = arith.constant 48 : index
    %get3A_270 = tpu.vector_load %arg15[%get3A_268, %get3A_269] {strides = array<i32>} : memref<4x64xf32, #tpu.memory_space<vmem>>, vector<1x16xf32>,
    %get3A_271 = vector.shape_cast %get3A_270 : vector<1x16xf32> to vector<16xf32>
    %get3A_272 = arith.constant 2 : i32
    %get3A_273 = arith.index_cast %get3A_272 : i32 to index
    %get3A_274 = arith.constant 48 : index
    %get3A_275 = tpu.vector_load %arg15[%get3A_273, %get3A_274] {strides = array<i32>} : memref<4x64xf32, #tpu.memory_space<vmem>>, vector<1x16xf32>,
    %get3A_276 = vector.shape_cast %get3A_275 : vector<1x16xf32> to vector<16xf32>
    %get3A_277 = arith.constant 3 : i32
    %get3A_278 = arith.index_cast %get3A_277 : i32 to index
    %get3A_279 = arith.constant 48 : index
    %get3A_280 = tpu.vector_load %arg15[%get3A_278, %get3A_279] {strides = array<i32>} : memref<4x64xf32, #tpu.memory_space<vmem>>, vector<1x16xf32>,
    %get3A_281 = vector.shape_cast %get3A_280 : vector<1x16xf32> to vector<16xf32>
    %mul3A_282 = arith.constant 5.000000e-01 : f32
    %mul3A_283 = vector.broadcast %mul3A_282 : f32 to vector<16xf32>
    %mul3A_284 = arith.mulf %mul3A_283, %get3A_276 : vector<16xf32>
    %sub3A_285 = arith.subf %get3A_266, %mul3A_284 : vector<16xf32>
    %div3A_286 = arith.constant 6.400000e+02 : f32
    %div3A_287 = vector.broadcast %div3A_286 : f32 to vector<16xf32>
    %div3A_288 = arith.divf %sub3A_285, %div3A_287 : vector<16xf32>
    %swap3A_289 = arith.constant 0 : i32
    %swap3A_290 = arith.index_cast %swap3A_289 : i32 to index
    %swap3A_291 = arith.constant 48 : index
    %swap3A_292 = tpu.vector_load %arg16[%swap3A_290, %swap3A_291] {strides = array<i32>} : memref<4x64xf32, #tpu.memory_space<vmem>>, vector<1x16xf32>,
    %swap3A_293 = vector.shape_cast %swap3A_292 : vector<1x16xf32> to vector<16xf32>
    %swap3A_294 = vector.shape_cast %div3A_288 : vector<16xf32> to vector<1x16xf32>
    tpu.vector_store %arg16[%swap3A_290, %swap3A_291], %swap3A_294 {strides = array<i32>} : memref<4x64xf32, #tpu.memory_space<vmem>>, vector<1x16xf32>,
    %mul3A_295 = arith.constant 5.000000e-01 : f32
    %mul3A_296 = vector.broadcast %mul3A_295 : f32 to vector<16xf32>
    %mul3A_297 = arith.mulf %mul3A_296, %get3A_281 : vector<16xf32>
    %sub3A_298 = arith.subf %get3A_271, %mul3A_297 : vector<16xf32>
    %div3A_299 = arith.constant 6.400000e+02 : f32
    %div3A_300 = vector.broadcast %div3A_299 : f32 to vector<16xf32>
    %div3A_301 = arith.divf %sub3A_298, %div3A_300 : vector<16xf32>
    %swap3A_302 = arith.constant 1 : i32
    %swap3A_303 = arith.index_cast %swap3A_302 : i32 to index
    %swap3A_304 = arith.constant 48 : index
    %swap3A_305 = tpu.vector_load %arg16[%swap3A_303, %swap3A_304] {strides = array<i32>} : memref<4x64xf32, #tpu.memory_space<vmem>>, vector<1x16xf32>,
    %swap3A_306 = vector.shape_cast %swap3A_305 : vector<1x16xf32> to vector<16xf32>
    %swap3A_307 = vector.shape_cast %div3A_301 : vector<16xf32> to vector<1x16xf32>
    tpu.vector_store %arg16[%swap3A_303, %swap3A_304], %swap3A_307 {strides = array<i32>} : memref<4x64xf32, #tpu.memory_space<vmem>>, vector<1x16xf32>,
    %mul3A_308 = arith.constant 5.000000e-01 : f32
    %mul3A_309 = vector.broadcast %mul3A_308 : f32 to vector<16xf32>
    %mul3A_310 = arith.mulf %mul3A_309, %get3A_276 : vector<16xf32>
    %add3A_311 = arith.addf %get3A_266, %mul3A_310 : vector<16xf32>
    %div3A_312 = arith.constant 6.400000e+02 : f32
    %div3A_313 = vector.broadcast %div3A_312 : f32 to vector<16xf32>
    %div3A_314 = arith.divf %add3A_311, %div3A_313 : vector<16xf32>
    %swap3A_315 = arith.constant 2 : i32
    %swap3A_316 = arith.index_cast %swap3A_315 : i32 to index
    %swap3A_317 = arith.constant 48 : index
    %swap3A_318 = tpu.vector_load %arg16[%swap3A_316, %swap3A_317] {strides = array<i32>} : memref<4x64xf32, #tpu.memory_space<vmem>>, vector<1x16xf32>,
    %swap3A_319 = vector.shape_cast %swap3A_318 : vector<1x16xf32> to vector<16xf32>
    %swap3A_320 = vector.shape_cast %div3A_314 : vector<16xf32> to vector<1x16xf32>
    tpu.vector_store %arg16[%swap3A_316, %swap3A_317], %swap3A_320 {strides = array<i32>} : memref<4x64xf32, #tpu.memory_space<vmem>>, vector<1x16xf32>,
    %mul3A_321 = arith.constant 5.000000e-01 : f32
    %mul3A_322 = vector.broadcast %mul3A_321 : f32 to vector<16xf32>
    %mul3A_323 = arith.mulf %mul3A_322, %get3A_281 : vector<16xf32>
    %add3A_324 = arith.addf %get3A_271, %mul3A_323 : vector<16xf32>
    %div3A_325 = arith.constant 6.400000e+02 : f32
    %div3A_326 = vector.broadcast %div3A_325 : f32 to vector<16xf32>
    %div3A_327 = arith.divf %add3A_324, %div3A_326 : vector<16xf32>
    %swap3A_328 = arith.constant 3 : i32
    %swap3A_329 = arith.index_cast %swap3A_328 : i32 to index
    %swap3A_330 = arith.constant 48 : index
    %swap3A_331 = tpu.vector_load %arg16[%swap3A_329, %swap3A_330] {strides = array<i32>} : memref<4x64xf32, #tpu.memory_space<vmem>>, vector<1x16xf32>,
    %swap3A_332 = vector.shape_cast %swap3A_331 : vector<1x16xf32> to vector<16xf32>
    %swap3A_333 = vector.shape_cast %div3A_327 : vector<16xf32> to vector<1x16xf32>
    tpu.vector_store %arg16[%swap3A_329, %swap3A_330], %swap3A_333 {strides = array<i32>} : memref<4x64xf32, #tpu.memory_space<vmem>>, vector<1x16xf32>,
    %dma_start3A_334 = arith.constant 0 : i32
    %dma_start3A_335 = arith.constant 0 : i32
    %dma_start3A_336 = arith.constant 0 : i32
    %dma_start3A_337 = tpu.memref_slice %arg16[%dma_start3A_334, %dma_start3A_336] : memref<4x64xf32, #tpu.memory_space<vmem>> -> memref<1x64xf32, #tpu.memory_space<vmem>>
    %dma_start3A_338 = tpu.memref_squeeze %dma_start3A_337 : memref<1x64xf32, #tpu.memory_space<vmem>> -> memref<64xf32, #tpu.memory_space<vmem>>
    %dma_start3A_339 = tpu.memref_slice %arg9[%dma_start3A_335, %mul3A_0] : memref<4x1024xf32, #tpu.memory_space<hbm>> -> memref<1x64xf32, #tpu.memory_space<hbm>>
    %dma_start3A_340 = tpu.memref_squeeze %dma_start3A_339 : memref<1x64xf32, #tpu.memory_space<hbm>> -> memref<64xf32, #tpu.memory_space<hbm>>
    %dma_start3A_341 = tpu.memref_slice %arg9[%dma_start3A_335, %mul3A_0] : memref<4x1024xf32, #tpu.memory_space<hbm>> -> memref<1x64xf32, #tpu.memory_space<hbm>>
    %dma_start3A_342 = tpu.memref_squeeze %dma_start3A_341 : memref<1x64xf32, #tpu.memory_space<hbm>> -> memref<64xf32, #tpu.memory_space<hbm>>
    %dma_start3A_343 = arith.constant 0 : i32
    %dma_start3A_344 = tpu.memref_slice %arg16[%dma_start3A_334, %dma_start3A_343] : memref<4x64xf32, #tpu.memory_space<vmem>> -> memref<1x64xf32, #tpu.memory_space<vmem>>
    %dma_start3A_345 = tpu.memref_squeeze %dma_start3A_344 : memref<1x64xf32, #tpu.memory_space<vmem>> -> memref<64xf32, #tpu.memory_space<vmem>>
    tpu.enqueue_dma source(%dma_start3A_345 : memref<64xf32, #tpu.memory_space<vmem>>) target(%dma_start3A_342 : memref<64xf32, #tpu.memory_space<hbm>>) target_semaphore(%arg17 : memref<!tpu.dma_semaphore, #tpu.memory_space<semaphore_mem>>)
    %dma_start3A_346 = arith.constant 1 : i32
    %dma_start3A_347 = arith.constant 1 : i32
    %dma_start3A_348 = arith.constant 0 : i32
    %dma_start3A_349 = tpu.memref_slice %arg16[%dma_start3A_346, %dma_start3A_348] : memref<4x64xf32, #tpu.memory_space<vmem>> -> memref<1x64xf32, #tpu.memory_space<vmem>>
    %dma_start3A_350 = tpu.memref_squeeze %dma_start3A_349 : memref<1x64xf32, #tpu.memory_space<vmem>> -> memref<64xf32, #tpu.memory_space<vmem>>
    %dma_start3A_351 = tpu.memref_slice %arg9[%dma_start3A_347, %mul3A_0] : memref<4x1024xf32, #tpu.memory_space<hbm>> -> memref<1x64xf32, #tpu.memory_space<hbm>>
    %dma_start3A_352 = tpu.memref_squeeze %dma_start3A_351 : memref<1x64xf32, #tpu.memory_space<hbm>> -> memref<64xf32, #tpu.memory_space<hbm>>
    %dma_start3A_353 = tpu.memref_slice %arg9[%dma_start3A_347, %mul3A_0] : memref<4x1024xf32, #tpu.memory_space<hbm>> -> memref<1x64xf32, #tpu.memory_space<hbm>>
    %dma_start3A_354 = tpu.memref_squeeze %dma_start3A_353 : memref<1x64xf32, #tpu.memory_space<hbm>> -> memref<64xf32, #tpu.memory_space<hbm>>
    %dma_start3A_355 = arith.constant 0 : i32
    %dma_start3A_356 = tpu.memref_slice %arg16[%dma_start3A_346, %dma_start3A_355] : memref<4x64xf32, #tpu.memory_space<vmem>> -> memref<1x64xf32, #tpu.memory_space<vmem>>
    %dma_start3A_357 = tpu.memref_squeeze %dma_start3A_356 : memref<1x64xf32, #tpu.memory_space<vmem>> -> memref<64xf32, #tpu.memory_space<vmem>>
    tpu.enqueue_dma source(%dma_start3A_357 : memref<64xf32, #tpu.memory_space<vmem>>) target(%dma_start3A_354 : memref<64xf32, #tpu.memory_space<hbm>>) target_semaphore(%arg17 : memref<!tpu.dma_semaphore, #tpu.memory_space<semaphore_mem>>)
    %dma_start3A_358 = arith.constant 2 : i32
    %dma_start3A_359 = arith.constant 2 : i32
    %dma_start3A_360 = arith.constant 0 : i32
    %dma_start3A_361 = tpu.memref_slice %arg16[%dma_start3A_358, %dma_start3A_360] : memref<4x64xf32, #tpu.memory_space<vmem>> -> memref<1x64xf32, #tpu.memory_space<vmem>>
    %dma_start3A_362 = tpu.memref_squeeze %dma_start3A_361 : memref<1x64xf32, #tpu.memory_space<vmem>> -> memref<64xf32, #tpu.memory_space<vmem>>
    %dma_start3A_363 = tpu.memref_slice %arg9[%dma_start3A_359, %mul3A_0] : memref<4x1024xf32, #tpu.memory_space<hbm>> -> memref<1x64xf32, #tpu.memory_space<hbm>>
    %dma_start3A_364 = tpu.memref_squeeze %dma_start3A_363 : memref<1x64xf32, #tpu.memory_space<hbm>> -> memref<64xf32, #tpu.memory_space<hbm>>
    %dma_start3A_365 = tpu.memref_slice %arg9[%dma_start3A_359, %mul3A_0] : memref<4x1024xf32, #tpu.memory_space<hbm>> -> memref<1x64xf32, #tpu.memory_space<hbm>>
    %dma_start3A_366 = tpu.memref_squeeze %dma_start3A_365 : memref<1x64xf32, #tpu.memory_space<hbm>> -> memref<64xf32, #tpu.memory_space<hbm>>
    %dma_start3A_367 = arith.constant 0 : i32
    %dma_start3A_368 = tpu.memref_slice %arg16[%dma_start3A_358, %dma_start3A_367] : memref<4x64xf32, #tpu.memory_space<vmem>> -> memref<1x64xf32, #tpu.memory_space<vmem>>
    %dma_start3A_369 = tpu.memref_squeeze %dma_start3A_368 : memref<1x64xf32, #tpu.memory_space<vmem>> -> memref<64xf32, #tpu.memory_space<vmem>>
    tpu.enqueue_dma source(%dma_start3A_369 : memref<64xf32, #tpu.memory_space<vmem>>) target(%dma_start3A_366 : memref<64xf32, #tpu.memory_space<hbm>>) target_semaphore(%arg17 : memref<!tpu.dma_semaphore, #tpu.memory_space<semaphore_mem>>)
    %dma_start3A_370 = arith.constant 3 : i32
    %dma_start3A_371 = arith.constant 3 : i32
    %dma_start3A_372 = arith.constant 0 : i32
    %dma_start3A_373 = tpu.memref_slice %arg16[%dma_start3A_370, %dma_start3A_372] : memref<4x64xf32, #tpu.memory_space<vmem>> -> memref<1x64xf32, #tpu.memory_space<vmem>>
    %dma_start3A_374 = tpu.memref_squeeze %dma_start3A_373 : memref<1x64xf32, #tpu.memory_space<vmem>> -> memref<64xf32, #tpu.memory_space<vmem>>
    %dma_start3A_375 = tpu.memref_slice %arg9[%dma_start3A_371, %mul3A_0] : memref<4x1024xf32, #tpu.memory_space<hbm>> -> memref<1x64xf32, #tpu.memory_space<hbm>>
    %dma_start3A_376 = tpu.memref_squeeze %dma_start3A_375 : memref<1x64xf32, #tpu.memory_space<hbm>> -> memref<64xf32, #tpu.memory_space<hbm>>
    %dma_start3A_377 = tpu.memref_slice %arg9[%dma_start3A_371, %mul3A_0] : memref<4x1024xf32, #tpu.memory_space<hbm>> -> memref<1x64xf32, #tpu.memory_space<hbm>>
    %dma_start3A_378 = tpu.memref_squeeze %dma_start3A_377 : memref<1x64xf32, #tpu.memory_space<hbm>> -> memref<64xf32, #tpu.memory_space<hbm>>
    %dma_start3A_379 = arith.constant 0 : i32
    %dma_start3A_380 = tpu.memref_slice %arg16[%dma_start3A_370, %dma_start3A_379] : memref<4x64xf32, #tpu.memory_space<vmem>> -> memref<1x64xf32, #tpu.memory_space<vmem>>
    %dma_start3A_381 = tpu.memref_squeeze %dma_start3A_380 : memref<1x64xf32, #tpu.memory_space<vmem>> -> memref<64xf32, #tpu.memory_space<vmem>>
    tpu.enqueue_dma source(%dma_start3A_381 : memref<64xf32, #tpu.memory_space<vmem>>) target(%dma_start3A_378 : memref<64xf32, #tpu.memory_space<hbm>>) target_semaphore(%arg17 : memref<!tpu.dma_semaphore, #tpu.memory_space<semaphore_mem>>)
    %dma_wait3A_382 = arith.constant 0 : i32
    %dma_wait3A_383 = tpu.memref_slice %arg3[%dma_wait3A_382] : memref<20000xf32, #tpu.memory_space<hbm>> -> memref<20000xf32, #tpu.memory_space<hbm>>
    tpu.wait_indirect_dma semaphore(%arg18 : memref<!tpu.dma_semaphore, #tpu.memory_space<semaphore_mem>>) src(%dma_wait3A_383 : memref<20000xf32, #tpu.memory_space<hbm>>) dst(%arg13 : memref<64xf32, #tpu.memory_space<vmem>>)
    %dma_wait3A_384 = arith.constant 0 : i32
    %dma_wait3A_385 = tpu.memref_slice %arg4[%dma_wait3A_384] : memref<20000xi32, #tpu.memory_space<hbm>> -> memref<20000xi32, #tpu.memory_space<hbm>>
    tpu.wait_indirect_dma semaphore(%arg18 : memref<!tpu.dma_semaphore, #tpu.memory_space<semaphore_mem>>) src(%dma_wait3A_385 : memref<20000xi32, #tpu.memory_space<hbm>>) dst(%arg14 : memref<64xi32, #tpu.memory_space<vmem>>)
    %dma_start3A_386 = tpu.memref_slice %arg10[%mul3A_0] : memref<1024xf32, #tpu.memory_space<hbm>> -> memref<64xf32, #tpu.memory_space<hbm>>
    %dma_start3A_387 = tpu.memref_slice %arg10[%mul3A_0] : memref<1024xf32, #tpu.memory_space<hbm>> -> memref<64xf32, #tpu.memory_space<hbm>>
    tpu.enqueue_dma source(%arg13 : memref<64xf32, #tpu.memory_space<vmem>>) target(%dma_start3A_387 : memref<64xf32, #tpu.memory_space<hbm>>) target_semaphore(%arg17 : memref<!tpu.dma_semaphore, #tpu.memory_space<semaphore_mem>>)
    %dma_start3A_388 = tpu.memref_slice %arg11[%mul3A_0] : memref<1024xi32, #tpu.memory_space<hbm>> -> memref<64xi32, #tpu.memory_space<hbm>>
    %dma_start3A_389 = tpu.memref_slice %arg11[%mul3A_0] : memref<1024xi32, #tpu.memory_space<hbm>> -> memref<64xi32, #tpu.memory_space<hbm>>
    tpu.enqueue_dma source(%arg14 : memref<64xi32, #tpu.memory_space<vmem>>) target(%dma_start3A_389 : memref<64xi32, #tpu.memory_space<hbm>>) target_semaphore(%arg17 : memref<!tpu.dma_semaphore, #tpu.memory_space<semaphore_mem>>)
    %dma_wait3A_390 = arith.constant 0 : i32
    %dma_wait3A_391 = arith.constant 0 : i32
    %dma_wait3A_392 = arith.constant 0 : i32
    %dma_wait3A_393 = tpu.memref_slice %arg16[%dma_wait3A_390, %dma_wait3A_392] : memref<4x64xf32, #tpu.memory_space<vmem>> -> memref<1x64xf32, #tpu.memory_space<vmem>>
    %dma_wait3A_394 = tpu.memref_squeeze %dma_wait3A_393 : memref<1x64xf32, #tpu.memory_space<vmem>> -> memref<64xf32, #tpu.memory_space<vmem>>
    %dma_wait3A_395 = tpu.memref_slice %arg9[%dma_wait3A_391, %mul3A_0] : memref<4x1024xf32, #tpu.memory_space<hbm>> -> memref<1x64xf32, #tpu.memory_space<hbm>>
    %dma_wait3A_396 = tpu.memref_squeeze %dma_wait3A_395 : memref<1x64xf32, #tpu.memory_space<hbm>> -> memref<64xf32, #tpu.memory_space<hbm>>
    %dma_wait3A_397 = tpu.memref_slice %arg9[%dma_wait3A_391, %mul3A_0] : memref<4x1024xf32, #tpu.memory_space<hbm>> -> memref<1x64xf32, #tpu.memory_space<hbm>>
    %dma_wait3A_398 = tpu.memref_squeeze %dma_wait3A_397 : memref<1x64xf32, #tpu.memory_space<hbm>> -> memref<64xf32, #tpu.memory_space<hbm>>
    %dma_wait3A_399 = arith.constant 0 : i32
    %dma_wait3A_400 = tpu.memref_slice %arg16[%dma_wait3A_390, %dma_wait3A_399] : memref<4x64xf32, #tpu.memory_space<vmem>> -> memref<1x64xf32, #tpu.memory_space<vmem>>
    %dma_wait3A_401 = tpu.memref_squeeze %dma_wait3A_400 : memref<1x64xf32, #tpu.memory_space<vmem>> -> memref<64xf32, #tpu.memory_space<vmem>>
    tpu.wait_dma2 semaphore(%arg17 : memref<!tpu.dma_semaphore, #tpu.memory_space<semaphore_mem>>) src(%dma_wait3A_401 : memref<64xf32, #tpu.memory_space<vmem>>) dst(%dma_wait3A_398 : memref<64xf32, #tpu.memory_space<hbm>>)
    %dma_wait3A_402 = arith.constant 1 : i32
    %dma_wait3A_403 = arith.constant 1 : i32
    %dma_wait3A_404 = arith.constant 0 : i32
    %dma_wait3A_405 = tpu.memref_slice %arg16[%dma_wait3A_402, %dma_wait3A_404] : memref<4x64xf32, #tpu.memory_space<vmem>> -> memref<1x64xf32, #tpu.memory_space<vmem>>
    %dma_wait3A_406 = tpu.memref_squeeze %dma_wait3A_405 : memref<1x64xf32, #tpu.memory_space<vmem>> -> memref<64xf32, #tpu.memory_space<vmem>>
    %dma_wait3A_407 = tpu.memref_slice %arg9[%dma_wait3A_403, %mul3A_0] : memref<4x1024xf32, #tpu.memory_space<hbm>> -> memref<1x64xf32, #tpu.memory_space<hbm>>
    %dma_wait3A_408 = tpu.memref_squeeze %dma_wait3A_407 : memref<1x64xf32, #tpu.memory_space<hbm>> -> memref<64xf32, #tpu.memory_space<hbm>>
    %dma_wait3A_409 = tpu.memref_slice %arg9[%dma_wait3A_403, %mul3A_0] : memref<4x1024xf32, #tpu.memory_space<hbm>> -> memref<1x64xf32, #tpu.memory_space<hbm>>
    %dma_wait3A_410 = tpu.memref_squeeze %dma_wait3A_409 : memref<1x64xf32, #tpu.memory_space<hbm>> -> memref<64xf32, #tpu.memory_space<hbm>>
    %dma_wait3A_411 = arith.constant 0 : i32
    %dma_wait3A_412 = tpu.memref_slice %arg16[%dma_wait3A_402, %dma_wait3A_411] : memref<4x64xf32, #tpu.memory_space<vmem>> -> memref<1x64xf32, #tpu.memory_space<vmem>>
    %dma_wait3A_413 = tpu.memref_squeeze %dma_wait3A_412 : memref<1x64xf32, #tpu.memory_space<vmem>> -> memref<64xf32, #tpu.memory_space<vmem>>
    tpu.wait_dma2 semaphore(%arg17 : memref<!tpu.dma_semaphore, #tpu.memory_space<semaphore_mem>>) src(%dma_wait3A_413 : memref<64xf32, #tpu.memory_space<vmem>>) dst(%dma_wait3A_410 : memref<64xf32, #tpu.memory_space<hbm>>)
    %dma_wait3A_414 = arith.constant 2 : i32
    %dma_wait3A_415 = arith.constant 2 : i32
    %dma_wait3A_416 = arith.constant 0 : i32
    %dma_wait3A_417 = tpu.memref_slice %arg16[%dma_wait3A_414, %dma_wait3A_416] : memref<4x64xf32, #tpu.memory_space<vmem>> -> memref<1x64xf32, #tpu.memory_space<vmem>>
    %dma_wait3A_418 = tpu.memref_squeeze %dma_wait3A_417 : memref<1x64xf32, #tpu.memory_space<vmem>> -> memref<64xf32, #tpu.memory_space<vmem>>
    %dma_wait3A_419 = tpu.memref_slice %arg9[%dma_wait3A_415, %mul3A_0] : memref<4x1024xf32, #tpu.memory_space<hbm>> -> memref<1x64xf32, #tpu.memory_space<hbm>>
    %dma_wait3A_420 = tpu.memref_squeeze %dma_wait3A_419 : memref<1x64xf32, #tpu.memory_space<hbm>> -> memref<64xf32, #tpu.memory_space<hbm>>
    %dma_wait3A_421 = tpu.memref_slice %arg9[%dma_wait3A_415, %mul3A_0] : memref<4x1024xf32, #tpu.memory_space<hbm>> -> memref<1x64xf32, #tpu.memory_space<hbm>>
    %dma_wait3A_422 = tpu.memref_squeeze %dma_wait3A_421 : memref<1x64xf32, #tpu.memory_space<hbm>> -> memref<64xf32, #tpu.memory_space<hbm>>
    %dma_wait3A_423 = arith.constant 0 : i32
    %dma_wait3A_424 = tpu.memref_slice %arg16[%dma_wait3A_414, %dma_wait3A_423] : memref<4x64xf32, #tpu.memory_space<vmem>> -> memref<1x64xf32, #tpu.memory_space<vmem>>
    %dma_wait3A_425 = tpu.memref_squeeze %dma_wait3A_424 : memref<1x64xf32, #tpu.memory_space<vmem>> -> memref<64xf32, #tpu.memory_space<vmem>>
    tpu.wait_dma2 semaphore(%arg17 : memref<!tpu.dma_semaphore, #tpu.memory_space<semaphore_mem>>) src(%dma_wait3A_425 : memref<64xf32, #tpu.memory_space<vmem>>) dst(%dma_wait3A_422 : memref<64xf32, #tpu.memory_space<hbm>>)
    %dma_wait3A_426 = arith.constant 3 : i32
    %dma_wait3A_427 = arith.constant 3 : i32
    %dma_wait3A_428 = arith.constant 0 : i32
    %dma_wait3A_429 = tpu.memref_slice %arg16[%dma_wait3A_426, %dma_wait3A_428] : memref<4x64xf32, #tpu.memory_space<vmem>> -> memref<1x64xf32, #tpu.memory_space<vmem>>
    %dma_wait3A_430 = tpu.memref_squeeze %dma_wait3A_429 : memref<1x64xf32, #tpu.memory_space<vmem>> -> memref<64xf32, #tpu.memory_space<vmem>>
    %dma_wait3A_431 = tpu.memref_slice %arg9[%dma_wait3A_427, %mul3A_0] : memref<4x1024xf32, #tpu.memory_space<hbm>> -> memref<1x64xf32, #tpu.memory_space<hbm>>
    %dma_wait3A_432 = tpu.memref_squeeze %dma_wait3A_431 : memref<1x64xf32, #tpu.memory_space<hbm>> -> memref<64xf32, #tpu.memory_space<hbm>>
    %dma_wait3A_433 = tpu.memref_slice %arg9[%dma_wait3A_427, %mul3A_0] : memref<4x1024xf32, #tpu.memory_space<hbm>> -> memref<1x64xf32, #tpu.memory_space<hbm>>
    %dma_wait3A_434 = tpu.memref_squeeze %dma_wait3A_433 : memref<1x64xf32, #tpu.memory_space<hbm>> -> memref<64xf32, #tpu.memory_space<hbm>>
    %dma_wait3A_435 = arith.constant 0 : i32
    %dma_wait3A_436 = tpu.memref_slice %arg16[%dma_wait3A_426, %dma_wait3A_435] : memref<4x64xf32, #tpu.memory_space<vmem>> -> memref<1x64xf32, #tpu.memory_space<vmem>>
    %dma_wait3A_437 = tpu.memref_squeeze %dma_wait3A_436 : memref<1x64xf32, #tpu.memory_space<vmem>> -> memref<64xf32, #tpu.memory_space<vmem>>
    tpu.wait_dma2 semaphore(%arg17 : memref<!tpu.dma_semaphore, #tpu.memory_space<semaphore_mem>>) src(%dma_wait3A_437 : memref<64xf32, #tpu.memory_space<vmem>>) dst(%dma_wait3A_434 : memref<64xf32, #tpu.memory_space<hbm>>)
    %dma_wait3A_438 = tpu.memref_slice %arg10[%mul3A_0] : memref<1024xf32, #tpu.memory_space<hbm>> -> memref<64xf32, #tpu.memory_space<hbm>>
    %dma_wait3A_439 = tpu.memref_slice %arg10[%mul3A_0] : memref<1024xf32, #tpu.memory_space<hbm>> -> memref<64xf32, #tpu.memory_space<hbm>>
    tpu.wait_dma2 semaphore(%arg17 : memref<!tpu.dma_semaphore, #tpu.memory_space<semaphore_mem>>) src(%arg13 : memref<64xf32, #tpu.memory_space<vmem>>) dst(%dma_wait3A_439 : memref<64xf32, #tpu.memory_space<hbm>>)
    %dma_wait3A_440 = tpu.memref_slice %arg11[%mul3A_0] : memref<1024xi32, #tpu.memory_space<hbm>> -> memref<64xi32, #tpu.memory_space<hbm>>
    %dma_wait3A_441 = tpu.memref_slice %arg11[%mul3A_0] : memref<1024xi32, #tpu.memory_space<hbm>> -> memref<64xi32, #tpu.memory_space<hbm>>
    tpu.wait_dma2 semaphore(%arg17 : memref<!tpu.dma_semaphore, #tpu.memory_space<semaphore_mem>>) src(%arg14 : memref<64xi32, #tpu.memory_space<vmem>>) dst(%dma_wait3A_441 : memref<64xi32, #tpu.memory_space<hbm>>)
    return
  }
}

module attributes {stable_mosaic.version = 14 : i64} {
  func.func @_dense_body(%arg0: i32, %arg1: memref<1x40x20000xf32, #tpu.memory_space<vmem>>, %arg2: memref<1x4x20000xf32, #tpu.memory_space<vmem>>, %arg3: memref<1x1000x3xi32, #tpu.memory_space<vmem>>, %arg4: memref<20000xf32, #tpu.memory_space<vmem>>, %arg5: memref<20000xi32, #tpu.memory_space<vmem>>, %arg6: memref<20000xf32, #tpu.memory_space<vmem>>, %arg7: memref<20000xf32, #tpu.memory_space<vmem>>, %arg8: memref<20000xf32, #tpu.memory_space<vmem>>, %arg9: memref<20000xf32, #tpu.memory_space<vmem>>, %arg10: memref<1024xi32, #tpu.memory_space<vmem>>, %arg11: memref<20000xf32, #tpu.memory_space<vmem>>, %arg12: memref<20000xi32, #tpu.memory_space<vmem>>) attributes {dimension_semantics = [#tpu.dimension_semantics<arbitrary>], iteration_bounds = array<i64: 2>, scalar_prefetch = 0 : i64, scratch_operands = 2 : i64, tpu.core_type = #tpu.core_type<tc>, window_params = [{transform_indices = @transform_0, window_bounds = array<i64: 1, 40, 20000>}, {pipeline_mode = #tpu.pipeline_mode<synchronous>, transform_indices = @transform_1, window_bounds = array<i64: 1, 4, 20000>}, {pipeline_mode = #tpu.pipeline_mode<synchronous>, transform_indices = @transform_2, window_bounds = array<i64: 1, 1000, 3>}, {pipeline_mode = #tpu.pipeline_mode<synchronous>, transform_indices = @transform_3, window_bounds = array<i64: 20000>}, {pipeline_mode = #tpu.pipeline_mode<synchronous>, transform_indices = @transform_4, window_bounds = array<i64: 20000>}, {pipeline_mode = #tpu.pipeline_mode<synchronous>, transform_indices = @transform_5, window_bounds = array<i64: 20000>}, {pipeline_mode = #tpu.pipeline_mode<synchronous>, transform_indices = @transform_6, window_bounds = array<i64: 20000>}, {pipeline_mode = #tpu.pipeline_mode<synchronous>, transform_indices = @transform_7, window_bounds = array<i64: 20000>}, {pipeline_mode = #tpu.pipeline_mode<synchronous>, transform_indices = @transform_8, window_bounds = array<i64: 20000>}, {pipeline_mode = #tpu.pipeline_mode<synchronous>, transform_indices = @transform_9, window_bounds = array<i64: 1024>}]} {
    %get3A = arith.constant 0 : index
    %get3A_0 = arith.constant 0 : index
    %get3A_1 = arith.constant 0 : index
    %get3A_2 = vector.load %arg1[%get3A, %get3A_0, %get3A_1] : memref<1x40x20000xf32, #tpu.memory_space<vmem>>, vector<1x40x20000xf32>
    %get3A_3 = vector.shape_cast %get3A_2 : vector<1x40x20000xf32> to vector<40x20000xf32>
    %reduce_max3A = arith.constant dense<0xFF800000> : vector<20000xf32>
    %reduce_max3A_4 = vector.multi_reduction <maximumf>, %get3A_3, %reduce_max3A [0] : vector<40x20000xf32> to vector<20000xf32>
    %iota3A = tpu.iota {dimensions = array<i32: 0>} : vector<40x20000xi32>
    %mul3A = arith.constant 40 : i32
    %mul3A_5 = arith.muli %mul3A, %arg0 : i32
    %add3A = vector.broadcast %mul3A_5 : i32 to vector<40x20000xi32>
    %add3A_6 = arith.addi %iota3A, %add3A : vector<40x20000xi32>
    %broadcast_in_dim3A = vector.shape_cast %reduce_max3A_4 : vector<20000xf32> to vector<1x20000xf32>
    %eq3A = vector.broadcast %broadcast_in_dim3A : vector<1x20000xf32> to vector<40x20000xf32>
    %eq3A_7 = arith.cmpf oeq, %get3A_3, %eq3A : vector<40x20000xf32>
    %jit3A = arith.constant 1073741824 : i32
    %broadcast_in_dim3A_8 = vector.broadcast %jit3A : i32 to vector<40x20000xi32>
    %select_n3A = arith.select %eq3A_7, %add3A_6, %broadcast_in_dim3A_8 : vector<40x20000xi1>, vector<40x20000xi32>
    %reduce_min3A = arith.constant dense<2147483647> : vector<20000xi32>
    %reduce_min3A_9 = vector.multi_reduction <minsi>, %select_n3A, %reduce_min3A [0] : vector<40x20000xi32> to vector<20000xi32>
    %eq3A_10 = arith.constant 0 : i32
    %eq3A_11 = arith.cmpi eq, %arg0, %eq3A_10 : i32
    %convert_element_type3A = arith.extui %eq3A_11 : i1 to i32
    %cond3A = arith.constant 0 : i32
    %cond3A_12 = arith.cmpi ne, %convert_element_type3A, %cond3A : i32
    scf.if %cond3A_12 {
      %swap3A = arith.constant 0 : index
      %swap3A_22 = vector.load %arg11[%swap3A] : memref<20000xf32, #tpu.memory_space<vmem>>, vector<20000xf32>
      tpu.vector_store %arg11[%swap3A], %reduce_max3A_4 {strides = array<i32>} : memref<20000xf32, #tpu.memory_space<vmem>>, vector<20000xf32>,
      %swap3A_23 = arith.constant 0 : index
      %swap3A_24 = vector.load %arg12[%swap3A_23] : memref<20000xi32, #tpu.memory_space<vmem>>, vector<20000xi32>
      tpu.vector_store %arg12[%swap3A_23], %reduce_min3A_9 {strides = array<i32>} : memref<20000xi32, #tpu.memory_space<vmem>>, vector<20000xi32>,
      %get3A_25 = arith.constant 0 : index
      %get3A_26 = arith.constant 0 : index
      %get3A_27 = arith.constant 0 : index
      %get3A_28 = vector.load %arg2[%get3A_25, %get3A_26, %get3A_27] : memref<1x4x20000xf32, #tpu.memory_space<vmem>>, vector<1x1x20000xf32>
      %get3A_29 = vector.shape_cast %get3A_28 : vector<1x1x20000xf32> to vector<20000xf32>
      %swap3A_30 = arith.constant 0 : index
      %swap3A_31 = vector.load %arg6[%swap3A_30] : memref<20000xf32, #tpu.memory_space<vmem>>, vector<20000xf32>
      tpu.vector_store %arg6[%swap3A_30], %get3A_29 {strides = array<i32>} : memref<20000xf32, #tpu.memory_space<vmem>>, vector<20000xf32>,
      %get3A_32 = arith.constant 0 : index
      %get3A_33 = arith.constant 1 : index
      %get3A_34 = arith.constant 0 : index
      %get3A_35 = vector.load %arg2[%get3A_32, %get3A_33, %get3A_34] : memref<1x4x20000xf32, #tpu.memory_space<vmem>>, vector<1x1x20000xf32>
      %get3A_36 = vector.shape_cast %get3A_35 : vector<1x1x20000xf32> to vector<20000xf32>
      %swap3A_37 = arith.constant 0 : index
      %swap3A_38 = vector.load %arg7[%swap3A_37] : memref<20000xf32, #tpu.memory_space<vmem>>, vector<20000xf32>
      tpu.vector_store %arg7[%swap3A_37], %get3A_36 {strides = array<i32>} : memref<20000xf32, #tpu.memory_space<vmem>>, vector<20000xf32>,
      %get3A_39 = arith.constant 0 : index
      %get3A_40 = arith.constant 2 : index
      %get3A_41 = arith.constant 0 : index
      %get3A_42 = vector.load %arg2[%get3A_39, %get3A_40, %get3A_41] : memref<1x4x20000xf32, #tpu.memory_space<vmem>>, vector<1x1x20000xf32>
      %get3A_43 = vector.shape_cast %get3A_42 : vector<1x1x20000xf32> to vector<20000xf32>
      %swap3A_44 = arith.constant 0 : index
      %swap3A_45 = vector.load %arg8[%swap3A_44] : memref<20000xf32, #tpu.memory_space<vmem>>, vector<20000xf32>
      tpu.vector_store %arg8[%swap3A_44], %get3A_43 {strides = array<i32>} : memref<20000xf32, #tpu.memory_space<vmem>>, vector<20000xf32>,
      %get3A_46 = arith.constant 0 : index
      %get3A_47 = arith.constant 3 : index
      %get3A_48 = arith.constant 0 : index
      %get3A_49 = vector.load %arg2[%get3A_46, %get3A_47, %get3A_48] : memref<1x4x20000xf32, #tpu.memory_space<vmem>>, vector<1x1x20000xf32>
      %get3A_50 = vector.shape_cast %get3A_49 : vector<1x1x20000xf32> to vector<20000xf32>
      %swap3A_51 = arith.constant 0 : index
      %swap3A_52 = vector.load %arg9[%swap3A_51] : memref<20000xf32, #tpu.memory_space<vmem>>, vector<20000xf32>
      tpu.vector_store %arg9[%swap3A_51], %get3A_50 {strides = array<i32>} : memref<20000xf32, #tpu.memory_space<vmem>>, vector<20000xf32>,
      %get3A_53 = arith.constant 0 : index
      %get3A_54 = arith.constant 0 : index
      %get3A_55 = arith.constant 2 : index
      %get3A_56 = vector.load %arg3[%get3A_53, %get3A_54, %get3A_55] : memref<1x1000x3xi32, #tpu.memory_space<vmem>>, vector<1x1000x1xi32>
      %get3A_57 = vector.shape_cast %get3A_56 : vector<1x1000x1xi32> to vector<1000xi32>
      %broadcast_in_dim3A_58 = arith.constant 0 : i32
      %broadcast_in_dim3A_59 = vector.broadcast %broadcast_in_dim3A_58 : i32 to vector<24xi32>
      %concatenate3A = tpu.concatenate %get3A_57, %broadcast_in_dim3A_59 in 0 : vector<1000xi32>, vector<24xi32> -> vector<1024xi32>
      %swap3A_60 = arith.constant 0 : index
      %swap3A_61 = vector.load %arg10[%swap3A_60] : memref<1024xi32, #tpu.memory_space<vmem>>, vector<1024xi32>
      tpu.vector_store %arg10[%swap3A_60], %concatenate3A {strides = array<i32>} : memref<1024xi32, #tpu.memory_space<vmem>>, vector<1024xi32>,
    } else {
    }
    %gt3A = arith.constant 0 : i32
    %gt3A_13 = arith.cmpi sgt, %arg0, %gt3A : i32
    %convert_element_type3A_14 = arith.extui %gt3A_13 : i1 to i32
    %cond3A_15 = arith.constant 0 : i32
    %cond3A_16 = arith.cmpi ne, %convert_element_type3A_14, %cond3A_15 : i32
    scf.if %cond3A_16 {
      %get3A_22 = arith.constant 0 : index
      %get3A_23 = vector.load %arg11[%get3A_22] : memref<20000xf32, #tpu.memory_space<vmem>>, vector<20000xf32>
      %gt3A_24 = arith.cmpf ogt, %reduce_max3A_4, %get3A_23 : vector<20000xf32>
      %get3A_25 = arith.constant 0 : index
      %get3A_26 = vector.load %arg12[%get3A_25] : memref<20000xi32, #tpu.memory_space<vmem>>, vector<20000xi32>
      %select_n3A_27 = arith.select %gt3A_24, %reduce_min3A_9, %get3A_26 : vector<20000xi1>, vector<20000xi32>
      %swap3A = arith.constant 0 : index
      %swap3A_28 = vector.load %arg12[%swap3A] : memref<20000xi32, #tpu.memory_space<vmem>>, vector<20000xi32>
      tpu.vector_store %arg12[%swap3A], %select_n3A_27 {strides = array<i32>} : memref<20000xi32, #tpu.memory_space<vmem>>, vector<20000xi32>,
      %select_n3A_29 = arith.select %gt3A_24, %reduce_max3A_4, %get3A_23 : vector<20000xi1>, vector<20000xf32>
      %swap3A_30 = arith.constant 0 : index
      %swap3A_31 = vector.load %arg11[%swap3A_30] : memref<20000xf32, #tpu.memory_space<vmem>>, vector<20000xf32>
      tpu.vector_store %arg11[%swap3A_30], %select_n3A_29 {strides = array<i32>} : memref<20000xf32, #tpu.memory_space<vmem>>, vector<20000xf32>,
    } else {
    }
    %eq3A_17 = arith.constant 1 : i32
    %eq3A_18 = arith.cmpi eq, %arg0, %eq3A_17 : i32
    %convert_element_type3A_19 = arith.extui %eq3A_18 : i1 to i32
    %cond3A_20 = arith.constant 0 : i32
    %cond3A_21 = arith.cmpi ne, %convert_element_type3A_19, %cond3A_20 : i32
    scf.if %cond3A_21 {
      %get3A_22 = arith.constant 0 : index
      %get3A_23 = vector.load %arg11[%get3A_22] : memref<20000xf32, #tpu.memory_space<vmem>>, vector<20000xf32>
      %swap3A = arith.constant 0 : index
      %swap3A_24 = vector.load %arg4[%swap3A] : memref<20000xf32, #tpu.memory_space<vmem>>, vector<20000xf32>
      tpu.vector_store %arg4[%swap3A], %get3A_23 {strides = array<i32>} : memref<20000xf32, #tpu.memory_space<vmem>>, vector<20000xf32>,
      %get3A_25 = arith.constant 0 : index
      %get3A_26 = vector.load %arg12[%get3A_25] : memref<20000xi32, #tpu.memory_space<vmem>>, vector<20000xi32>
      %swap3A_27 = arith.constant 0 : index
      %swap3A_28 = vector.load %arg5[%swap3A_27] : memref<20000xi32, #tpu.memory_space<vmem>>, vector<20000xi32>
      tpu.vector_store %arg5[%swap3A_27], %get3A_26 {strides = array<i32>} : memref<20000xi32, #tpu.memory_space<vmem>>, vector<20000xi32>,
    } else {
    }
    return
  }
  func.func @transform_0(%arg0: i32) -> (i32, i32, i32) {
    %c0_i32 = arith.constant 0 : i32
    %c0_i32_0 = arith.constant 0 : i32
    %c0_i32_1 = arith.constant 0 : i32
    return %c0_i32, %arg0, %c0_i32_0 : i32, i32, i32
  }
  func.func @transform_1(%arg0: i32) -> (i32, i32, i32) {
    %c0_i32 = arith.constant 0 : i32
    %c0_i32_0 = arith.constant 0 : i32
    %c0_i32_1 = arith.constant 0 : i32
    %c0_i32_2 = arith.constant 0 : i32
    return %c0_i32, %c0_i32_0, %c0_i32_1 : i32, i32, i32
  }
  func.func @transform_2(%arg0: i32) -> (i32, i32, i32) {
    %c0_i32 = arith.constant 0 : i32
    %c0_i32_0 = arith.constant 0 : i32
    %c0_i32_1 = arith.constant 0 : i32
    %c0_i32_2 = arith.constant 0 : i32
    return %c0_i32, %c0_i32_0, %c0_i32_1 : i32, i32, i32
  }
  func.func @transform_3(%arg0: i32) -> i32 {
    %c0_i32 = arith.constant 0 : i32
    %c0_i32_0 = arith.constant 0 : i32
    return %c0_i32 : i32
  }
  func.func @transform_4(%arg0: i32) -> i32 {
    %c0_i32 = arith.constant 0 : i32
    %c0_i32_0 = arith.constant 0 : i32
    return %c0_i32 : i32
  }
  func.func @transform_5(%arg0: i32) -> i32 {
    %c0_i32 = arith.constant 0 : i32
    %c0_i32_0 = arith.constant 0 : i32
    return %c0_i32 : i32
  }
  func.func @transform_6(%arg0: i32) -> i32 {
    %c0_i32 = arith.constant 0 : i32
    %c0_i32_0 = arith.constant 0 : i32
    return %c0_i32 : i32
  }
  func.func @transform_7(%arg0: i32) -> i32 {
    %c0_i32 = arith.constant 0 : i32
    %c0_i32_0 = arith.constant 0 : i32
    return %c0_i32 : i32
  }
  func.func @transform_8(%arg0: i32) -> i32 {
    %c0_i32 = arith.constant 0 : i32
    %c0_i32_0 = arith.constant 0 : i32
    return %c0_i32 : i32
  }
  func.func @transform_9(%arg0: i32) -> i32 {
    %c0_i32 = arith.constant 0 : i32
    %c0_i32_0 = arith.constant 0 : i32
    return %c0_i32 : i32
  }
}

</mosaic_0001>

<sc_bundles>
// kernel: kernel.4.cloned.1.call-start
scs
__scs_entry_jumppad:
0x0: {  	(pc) =	sbr.rel $0x88, $3  }
0x1: {  	(tag) =	ssettag $0x0;
	lr =	simm.s32 $0x1  }
0x2: {  	[smem:$0x3F9E] =	sst lr;
	_ =	strace $0xD0000000  }
0x3: {  	_ = 	snop  }
0x4: {  	_ = 	snop  }
0x5: {  	_ = 	snop  }
0x6: {  	_ = 	snop  }
0x7: {  	_ = 	snop  }
__scs_overlays_trampoline_lowered:
0x8: {  	[smem:$0x3FAD] =	sst s0  }
0x9: {  	[smem:$0x3FAE] =	sst s1  }
0xa: {  	[smem:$0x3FAF] =	sst s2  }
0xb: {  	[smem:$0x3FB0] =	sst s3  }
0xc: {  	[smem:$0x3FB1] =	sst s4  }
0xd: {  	[smem:$0x3FB2] =	sst s5  }
0xe: {  	[smem:$0x3FB3] =	sst s6  }
0xf: {  	[smem:$0x3FB4] =	sst s7  }
0x10: {  	[smem:$0x3FB5] =	sst s8  }
0x11: {  	[smem:$0x3FB6] =	sst s9;
	s0 =	simm.s32 @!p0 $0x0  }
0x12: {  	s1 =	sld [smem:$0x3F9C];
	s0 =	simm.s32 @p0 $0x1  }
0x13: {  	[smem:$0x3FB7] =	sst s0;
	s0 =	simm.s32 @!p1 $0x0  }
0x14: {  	s2 =	sld [smem:$0x3F9B];
	s0 =	simm.s32 @p1 $0x1  }
0x15: {  	[smem:$0x3FB8] =	sst s0;
	s0 =	simm.s32 @!p2 $0x0  }
0x16: {  	s3 =	sld [smem:$0x3FDB];
	s0 =	simm.s32 @p2 $0x1  }
0x17: {  	s4 =	simm.s32 $0x1BF5;
	[smem:$0x3FBA] =	sst s0  }
0x18: {  	s0 =	sld [smem:$0x3F9D];
	_ =	swait.ge [sflag:s4], $0x0  }
0x19: {  	s7 =	sld [smem:$0x3F9E]  }
0x1a: {  	s8 =	sadd.s32 $0xFFFFE003, lr  }
0x1b: {  	s9 =	sadd.s32 $0xFFFFFEF7, lr;
	s5 =	simm.s32 $0xFFFFFFFF;
	p2 =	slt.u32 s8, $0xFFFFF086  }
0x1c: {  	p1 =	slt.u32 s9, $0xF7A;
	s5 =	simm.s32 @!p2 $0x0  }
0x1d: {  	s5 =	simm.s32 @p1 $0x1;
	p0 =	seq.s32 s7, s2  }
0x1e: {  	s7 =	smul.u32 @!p0 $0xF7A, s2;
	p2 =	seq.s32 @!p0 s5, $0x0  }
0x1f: {  	s9 =	smul.u32 $0xF7A, s1;
	s8 =	simm.s32 @!p0 $0x1BF5;
	p2 =	por !p2, p0  }
0x20: {  	[sflag:s8] =	ssyncset.s32 @!p0 $0xFFFFF086;
	s6 =	sadd.s32 @!p0 s3, s7;
	s7 =	simm.s32 @!p0 $0x108  }
0x21: {  	s3 =	sadd.s32 s3, s9;
	s6 =	sadd.s32 @!p0 $0x88, s6;
	s7 =	simm.s32 @p2 $0x1082  }
0x22: {  	[simem:s7], [sflag:s8] =	dma.local @!p0 [hbm:s6], $0xF7A  }
0x23: {  	s9 =	sor.u32 $0xD0000000, s2;
	s6 =	simm.s32 $0x108;
	_ =	swait.ge @!p0 [sflag:s8], $0x0  }
0x24: {  	s3 =	sadd.s32 $0x88, s3;
	s6 =	simm.s32 @!p1 $0x1082;
	[sflag:s4] =	ssyncset.s32 $0xFFFFF086  }
0x25: {  	[simem:s6], [sflag:s4] =	dma.local [hbm:s3], $0xF7A  }
0x26: {  	[smem:$0x3F9E] =	sst s1;
	(tag) =	ssettag s2;
	_ =	strace s9  }
0x27: {  	s1 =	sld [smem:$0x3FAE]  }
0x28: {  	s2 =	sld [smem:$0x3FAF]  }
0x29: {  	s4 =	sld [smem:$0x3FB1]  }
0x2a: {  	p0 =	seq.s32 s5, $0x0;
	s5 =	sld [smem:$0x3FB2]  }
0x2b: {  	s6 =	sld [smem:$0x3FB3]  }
0x2c: {  	s7 =	sld [smem:$0x3FB4]  }
0x2d: {  	s3 =	simm.s32 $0x108;
	s8 =	sld [smem:$0x3FB5]  }
0x2e: {  	s3 =	simm.s32 @!p0 $0x1082;
	s9 =	sld [smem:$0x3FB6]  }
0x2f: {  	lr =	sadd.s32 s0, s3;
	s0 =	sld [smem:$0x3FAD]  }
0x30: {  	s3 =	sld [smem:$0x3FB0]  }
0x31: {  	[smem:$0x3FB9] =	sst s10  }
0x32: {  	s10 =	sld [smem:$0x3FB7];
	_ =	sdelay $0x3  }
0x33: {  	p0 =	seq.s32 s10, $0x1;
	s10 =	sld [smem:$0x3FB9];
	_ =	sdelay $0x3  }
0x34: {  	[smem:$0x3FB9] =	sst s10  }
0x35: {  	s10 =	sld [smem:$0x3FB8];
	_ =	sdelay $0x3  }
0x36: {  	p1 =	seq.s32 s10, $0x1;
	s10 =	sld [smem:$0x3FB9];
	_ =	sdelay $0x3  }
0x37: {  	[smem:$0x3FB9] =	sst s10  }
0x38: {  	s10 =	sld [smem:$0x3FBA]  }
0x39: {  	_ = 	snop;
	(pc) =	sbr.ind lr, $3  }
0x3a: {  	_ = 	snop  }
0x3b: {  	_ = 	snop  }
0x3c: {  	p2 =	seq.s32 s10, $0x1;
	s10 =	sld [smem:$0x3FB9]  }
0x3d: {  	_ =	shalt  }
0x3e: {  	_ =	shalt  }
0x3f: {  	_ =	shalt  }
0x40: {  	_ =	shalt  }
0x41: {  	_ =	shalt  }
0x42: {  	_ =	shalt  }
0x43: {  	_ =	shalt  }
0x44: {  	_ =	shalt  }
0x45: {  	_ =	shalt  }
0x46: {  	_ =	shalt  }
0x47: {  	_ =	shalt  }
0x48: {  	_ =	shalt  }
0x49: {  	_ =	shalt  }
0x4a: {  	_ =	shalt  }
0x4b: {  	_ =	shalt  }
0x4c: {  	_ =	shalt  }
0x4d: {  	_ =	shalt  }
0x4e: {  	_ =	shalt  }
0x4f: {  	_ =	shalt  }
0x50: {  	_ =	shalt  }
0x51: {  	_ =	shalt  }
0x52: {  	_ =	shalt  }
0x53: {  	_ =	shalt  }
0x54: {  	_ =	shalt  }
0x55: {  	_ =	shalt  }
0x56: {  	_ =	shalt  }
0x57: {  	_ =	shalt  }
0x58: {  	_ =	shalt  }
0x59: {  	_ =	shalt  }
0x5a: {  	_ =	shalt  }
0x5b: {  	_ =	shalt  }
0x5c: {  	_ =	shalt  }
0x5d: {  	_ =	shalt  }
0x5e: {  	_ =	shalt  }
0x5f: {  	_ =	shalt  }
0x60: {  	_ =	shalt  }
0x61: {  	_ =	shalt  }
0x62: {  	_ =	shalt  }
0x63: {  	_ =	shalt  }
0x64: {  	_ =	shalt  }
0x65: {  	_ =	shalt  }
0x66: {  	_ =	shalt  }
0x67: {  	_ =	shalt  }
0x68: {  	_ =	shalt  }
0x69: {  	_ =	shalt  }
0x6a: {  	_ =	shalt  }
0x6b: {  	_ =	shalt  }
0x6c: {  	_ =	shalt  }
0x6d: {  	_ =	shalt  }
0x6e: {  	_ =	shalt  }
0x6f: {  	_ =	shalt  }
0x70: {  	_ =	shalt  }
0x71: {  	_ =	shalt  }
0x72: {  	_ =	shalt  }
0x73: {  	_ =	shalt  }
0x74: {  	_ =	shalt  }
0x75: {  	_ =	shalt  }
0x76: {  	_ =	shalt  }
0x77: {  	_ =	shalt  }
0x78: {  	_ =	shalt  }
0x79: {  	_ =	shalt  }
0x7a: {  	_ =	shalt  }
0x7b: {  	_ =	shalt  }
0x7c: {  	_ =	shalt  }
0x7d: {  	_ =	shalt  }
0x7e: {  	_ =	shalt  }
0x7f: {  	_ =	shalt  }
0x80: {  	_ =	shalt  }
0x81: {  	_ =	shalt  }
0x82: {  	_ =	shalt  }
0x83: {  	_ =	shalt  }
0x84: {  	_ =	shalt  }
0x85: {  	_ =	shalt  }
0x86: {  	_ =	shalt  }
0x87: {  	_ =	shalt  }
.Lfunc_end0:
.L_simem_size_0:
called_computation_lowered:
.L_overlay_start_0:
0x88: {  	s0 =	sld [smem:$0x3FD9]  }
0x89: {  	s1 =	sld [smem:$0x3FFE];
	_ =	sdelay $0x3  }
0x8a: {  	s0 =	sadd.s32 s1, s0  }
0x8b: {  	[smem:$0x3FC5] =	sst s0  }
0x8c: {  	_ = 	snop  }
0x8d: {  	s0 =	sld [smem:$0x3FD0];
	_ =	sdelay $0x2  }
0x8e: {  	s13 =	simm.s32 $0xA;
	s2 =	simm.s32 $0x10  }
0x8f: {  	[smem:s2], [sflag:s13] =	dma.local [hbm:s0], $0x1  }
0x90: {  	_ =	swait.eq [sflag:s13], $0x1  }
0x91: {  	s14 =	sld [smem:$0x10];
	[sflag:s13] =	ssyncset.done $0x0  }
0x92: {  	s15 =	sld [smem:$0x11];
	[sflag:s13] =	ssyncadd.s32 $0xFFFFFFFF  }
0x93: {  	s16 =	sld [smem:$0x12];
	(tm) =	ssettm $0x1  }
0x94: {  	s3 =	sld [smem:$0x3FFB];
	_ =	sdelay $0x3  }
0x95: {  	_ =	strace s3  }
0x96: {  	s3 =	sld [smem:$0x3FFC];
	_ =	sdelay $0x3  }
0x97: {  	_ =	strace s3  }
0x98: {  	s3 =	sld [smem:$0x3FFD];
	_ =	sdelay $0x3  }
0x99: {  	_ =	strace s3  }
0x9a: {  	_ =	strace $0x8FFFFFFF  }
0x9b: {  	s17 =	sld [smem:$0x3FDB];
	_ =	sdelay $0x1  }
0x9c: {  	s4 =	simm.s32 $_scs_section_size  }
0x9d: {  	s5 =	simm.s32 $_size__tile_overlayer_lowered;
	s6 =	simm.s32 $_tile_overlayer_lowered  }
0x9e: {  	s20 =	simm.s32 $0x1BFF;
	s19 =	sshll.u32 s6, $0x1;
	s3 =	sadd.s32 s4, s17  }
0x9f: {  	s7 =	simm.s32 $0x0;
	s18 =	sshll.u32 s5, $0x1;
	s5 =	sadd.s32 s19, s3  }
0xa0: {  	[timem:s7], [sflag:s20] =	dma.local [hbm:s5], s18  }
0xa1: {  	_ =	swait.ge [sflag:s20], s18  }
0xa2: {  	s4 =	ssub.s32 $0x0, s18;
	[sflag:s20] =	ssyncset.done $0x0  }
0xa3: {  	[sflag:s20] =	ssyncadd.s32 s4;
	_ =	sdelay $0x1  }
0xa4: {  	s21 =	simm.s32 $0x1B8B  }
0xa5: {  	_ =	swait.ge [sflag:s21], $0x1  }
0xa6: {  	[sflag:s21] =	ssyncset.done $0x0  }
0xa7: {  	s23 =	simm.s32 $0x1B8E;
	s22 =	sld [smem:$0x3FFE];
	[sflag:s21] =	ssyncadd.s32 $0xFFFFFFFF  }
0xa8: {  	s24 =	simm.s32 $execute0_lowered;
	[smem:$0x3FD2] =	sst s23  }
0xa9: {  	s5 =	sshll.u32 s24, $0x1;
	_ =	strace $0x80000046;
	[dreg:$0x1] =	wrdreg $0xFFFFFFFF  }
0xaa: {  	s25 =	simm.s32 $_size_execute0_lowered;
	s3 =	sadd.s32 s3, s5;
	[dreg:$0x0] =	wrdreg $0x0  }
0xab: {  	s5 =	sshll.u32 s25, $0x1;
	[dreg:$0x2] =	wrdreg s3  }
0xac: {  	[dreg:$0x3] =	wrdreg s5  }
0xad: {  	[dreg:$0x4] =	wrdreg $0xC0  }
0xae: {  	_ =	task [dreg:s7], $0x5FFFF  }
0xaf: {  	[dreg:$0x1] =	wrdreg $0xFFFFFFFF  }
0xb0: {  	[dreg:$0x0] =	wrdreg $0x60  }
0xb1: {  	[dreg:$0x2] =	wrdreg s22  }
0xb2: {  	[dreg:$0x3] =	wrdreg s14  }
0xb3: {  	[dreg:$0x4] =	wrdreg s15  }
0xb4: {  	[dreg:$0x5] =	wrdreg s16  }
0xb5: {  	[dreg:$0x6] =	wrdreg $0x9  }
0xb6: {  	_ =	task.clear_ibuf [dreg:s7], $0x7FFFF;
	_ =	strace $0x90000046  }
0xb7: {  	s26 =	simm.s32 $0x9;
	_ =	strace $0x80000048  }
0xb8: {  	_ =	swait.ge [sflag:s26], $0x1  }
0xb9: {  	[sflag:s26] =	ssyncadd.s32 $0xFFFFFFFF  }
0xba: {  	_ =	strace $0x90000048  }
0xbb: {  	_ =	sfence  }
0xbc: {  	s28 =	sld [smem:$0x0];
	_ =	sdelay $0x1  }
0xbd: {  	s29 =	srdreg.scid  }
0xbe: {  	s30 =	sshll.u32 s29, $0xD;
	s31 =	sshrl.u32 s29, $0x2  }
0xbf: {  	s1 =	sand.u32 $0x1, s29;
	s2 =	sand.u32 $0x4000, s30;
	s0 =	sadd.s32 s31, s28  }
0xc0: {  	s1 =	sor.u32 s2, s1;
	s0 =	sshll.u32 s0, $0x11  }
0xc1: {  	s0 =	sor.u32 s0, s1  }
0xc2: {  	s0 =	sadd.s32 $0x8F2B, s0  }
0xc3: {  	[sflag:s0] =	ssyncadd.remote.s32 $0x1  }
0xc4: {  	_ =	sfence.sel $0xFFFF  }
0xc5: {  	[dreg:$0x0] =	wrdreg $0xFFFFFFFF;
	(pc) =	sbr.abs _section_cstart, $3  }
0xc6: {  	[dreg:$0x1] =	wrdreg $0xFFFFFFFF  }
0xc7: {  	_ =	task.clear_ibuf [dreg:s7], $0x2FFFF;
	_ =	strace $0x9FFFFFFF  }
0xc8: {  	(tm) =	ssettm $0x7FFFFFFF  }
0xc9: {  	_ =	shalt  }
tec
execute0_lowered:
.L_overlay_start_1:
0x0: {  	(tag) =	ssettag $0x1  }
0x1: {  	s7 =	rddreg [dreg:$0x0]  }
0x2: {  	s6 =	rddreg [dreg:$0x1]  }
0x3: {  	s4 =	rddreg [dreg:$0x2]  }
0x4: {  	s2 =	rddreg [dreg:$0x3];
	s3 =	simm.s32 $0x0  }
0x5: {  	[smem:$0x7FF] =	sst s3  }
0x6: {  	s0 =	rddreg [dreg:$0x4];
	v0 =	vimm.f32 $6.400000000e+02;
	_ =	strace $0x80000047  }
0x7: {  	(erf) = vrcp.f32 v0;
	_ =	sdelay $0x4  }
0x8: {  	s1 =	stileid.u32  }
0x9: {  	s5 =	sshll.u32 s1, $0x3  }
0xa: {  	s8 =	sadd.s32 s5, s7  }
0xb: {  	s11 =	simm.s32 $0x3;
	s8 =	sadd.s32 $0x5A00, s8  }
0xc: {  	[tilespmem:s3], [sflag:$0x3] =	stream.linear.gather [hbm4b:s8+s3], $0x40, $0x38;
	v0 =	vpop (erf);
	[tilespmem:$0x580] =	vst v63  }
0xd: {  	_ =	swait.ge [sflag:s11], $0x40  }
0xe: {  	s10 =	simm.s32 $0x40;
	[sflag:s11] =	ssyncset.done $0x0  }
0xf: {  	s12 =	simm.s32 $0x180;
	s9 =	sadd.s32 $0x3200, s7;
	[sflag:s11] =	ssyncadd.s32 $0xFFFFFFC0  }
0x10: {  	[tilespmem:s12], [sflag:$0x1] =	stream.indirect.gather [hbm4b:s9+s10], $0x1, s3, s10, $0xb8;
	[tilespmem:$0x580] =	vst v63  }
0x11: {  	s14 =	simm.s32 $0x200;
	s13 =	sadd.s32 $0x3C00, s7  }
0x12: {  	[tilespmem:s14], [sflag:$0x1] =	stream.indirect.gather [hbm4b:s13+s10], $0x1, s3, s10, $0xb8;
	[tilespmem:$0x580] =	vst v63  }
0x13: {  	s16 =	simm.s32 $0x280;
	s15 =	sadd.s32 $0x4600, s7  }
0x14: {  	[tilespmem:s16], [sflag:$0x1] =	stream.indirect.gather [hbm4b:s15+s10], $0x1, s3, s10, $0xb8;
	[tilespmem:$0x580] =	vst v63  }
0x15: {  	s18 =	simm.s32 $0x300;
	s17 =	sadd.s32 $0x5000, s7  }
0x16: {  	[tilespmem:s18], [sflag:$0x1] =	stream.indirect.gather [hbm4b:s17+s10], $0x1, s3, s10, $0xb8;
	[tilespmem:$0x580] =	vst v63  }
0x17: {  	s20 =	simm.s32 $0x80;
	s19 =	sadd.s32 $0x1E00, s7  }
0x18: {  	[tilespmem:s20], [sflag:$0x2] =	stream.indirect.gather [hbm4b:s19+s10], $0x1, s3, s10, $0xb8;
	[tilespmem:$0x580] =	vst v63  }
0x19: {  	s21 =	simm.s32 $0x100;
	s22 =	simm.s32 $0x1;
	s7 =	sadd.s32 $0x2800, s7  }
0x1a: {  	[tilespmem:s21], [sflag:$0x2] =	stream.indirect.gather [hbm4b:s7+s10], $0x1, s3, s10, $0xb8;
	[tilespmem:$0x580] =	vst v63  }
0x1b: {  	_ =	swait.ge [sflag:s22], $0x40  }
0x1c: {  	[sflag:s22] =	ssyncset.done $0x0  }
0x1d: {  	[sflag:s22] =	ssyncadd.s32 $0xFFFFFFC0  }
0x1e: {  	_ =	swait.ge [sflag:s22], $0x40  }
0x1f: {  	[sflag:s22] =	ssyncset.done $0x0  }
0x20: {  	[sflag:s22] =	ssyncadd.s32 $0xFFFFFFC0  }
0x21: {  	_ =	swait.ge [sflag:s22], $0x40  }
0x22: {  	[sflag:s22] =	ssyncset.done $0x0  }
0x23: {  	[sflag:s22] =	ssyncadd.s32 $0xFFFFFFC0  }
0x24: {  	_ =	swait.ge [sflag:s22], $0x40  }
0x25: {  	[sflag:s22] =	ssyncset.done $0x0  }
0x26: {  	[sflag:s22] =	ssyncadd.s32 $0xFFFFFFC0  }
0x27: {  	v1 =	vld [tilespmem:$0x280]  }
0x28: {  	v2 =	vld [tilespmem:$0x300]  }
0x29: {  	v3 =	vld [tilespmem:$0x180]  }
0x2a: {  	v4 =	vld [tilespmem:$0x200]  }
0x2b: {  	v5 =	vld [tilespmem:$0x290]  }
0x2c: {  	v6 =	vld [tilespmem:$0x310]  }
0x2d: {  	v7 =	vld [tilespmem:$0x190];
	v1 =	vmul.f32 $5.000000000e-01, v1  }
0x2e: {  	v9 =	vld [tilespmem:$0x210];
	v2 =	vmul.f32 $5.000000000e-01, v2  }
0x2f: {  	v11 =	vld [tilespmem:$0x2A0];
	v8 =	vsub.f32 v3, v1  }
0x30: {  	v40 =	vld [tilespmem:$0x320];
	v10 =	vsub.f32 v4, v2  }
0x31: {  	v42 =	vld [tilespmem:$0x1A0];
	v39 =	vmul.f32 $5.000000000e-01, v5;
	v1 =	vadd.f32 v1, v3;
	v8 =	vmul.f32 v8, v0  }
0x32: {  	v47 =	vld [tilespmem:$0x330];
	v41 =	vmul.f32 $5.000000000e-01, v6;
	v2 =	vadd.f32 v2, v4;
	v10 =	vmul.f32 v10, v0  }
0x33: {  	v12 =	vld [tilespmem:$0x220];
	v43 =	vsub.f32 v7, v39;
	v1 =	vmul.f32 v1, v0;
	[tilespmem:$0x380] =	vst v8  }
0x34: {  	v52 =	vld [tilespmem:$0x230];
	v44 =	vsub.f32 v9, v41;
	v2 =	vmul.f32 v2, v0;
	[tilespmem:$0x400] =	vst v10  }
0x35: {  	v13 =	vld [tilespmem:$0x2B0];
	v46 =	vmul.f32 $5.000000000e-01, v11;
	v3 =	vadd.f32 v39, v7;
	v45 =	vmul.f32 v43, v0;
	[tilespmem:$0x480] =	vst v1  }
0x36: {  	v5 =	vmul.f32 $5.000000000e-01, v40;
	v4 =	vadd.f32 v41, v9;
	v48 =	vmul.f32 v44, v0;
	[tilespmem:$0x500] =	vst v2  }
0x37: {  	v49 =	vld [tilespmem:$0x1B0];
	v58 =	vmul.f32 $5.000000000e-01, v47;
	v51 =	vsub.f32 v42, v46;
	v50 =	vmul.f32 v3, v0;
	[tilespmem:$0x390] =	vst v45  }
0x38: {  	v54 =	vsub.f32 v12, v5;
	v53 =	vmul.f32 v4, v0;
	[tilespmem:$0x410] =	vst v48  }
0x39: {  	v60 =	vsub.f32 v52, v58;
	v3 =	vmul.f32 v51, v0;
	[tilespmem:$0x490] =	vst v50  }
0x3a: {  	v56 =	vmul.f32 $5.000000000e-01, v13;
	v55 =	vadd.f32 v46, v42;
	v4 =	vmul.f32 v54, v0;
	[tilespmem:$0x510] =	vst v53  }
0x3b: {  	v57 =	vadd.f32 v5, v12;
	v62 =	vmul.f32 v60, v0;
	[tilespmem:$0x3A0] =	vst v3  }
0x3c: {  	v59 =	vsub.f32 v49, v56;
	v1 =	vmul.f32 v55, v0;
	[tilespmem:$0x420] =	vst v4  }
0x3d: {  	v61 =	vadd.f32 v56, v49;
	v2 =	vmul.f32 v57, v0;
	[tilespmem:$0x430] =	vst v62  }
0x3e: {  	s23 =	sshll.u32 s1, $0x6;
	s11 =	sshll.u32 s1, $0x8;
	v63 =	vadd.f32 v58, v52;
	v3 =	vmul.f32 v59, v0;
	[tilespmem:$0x4A0] =	vst v1  }
0x3f: {  	s12 =	sand.u32 $0xE00, s11;
	s10 =	sand.u32 $0x40, s23;
	[tilespmem:$0x520] =	vst v2;
	v1 =	vmul.f32 v61, v0  }
0x40: {  	s12 =	sor.u32 s10, s12;
	[tilespmem:$0x3B0] =	vst v3;
	v0 =	vmul.f32 v63, v0  }
0x41: {  	s10 =	sor.u32 s11, s10;
	s12 =	sshrl.u32 s12, $0x3;
	[tilespmem:$0x4B0] =	vst v1  }
0x42: {  	s25 =	simm.s32 $0x380;
	s10 =	sshrl.u32 s10, $0x3;
	s24 =	sadd.s32 s6, s12;
	[tilespmem:$0x530] =	vst v0  }
0x43: {  	[hbm4b:s24+s3] =	stream.linear.scatter [tilespmem:s25], [sflag:$0x1], $0x40, $0x38;
	[tilespmem:$0x580] =	vst v63  }
0x44: {  	s13 =	simm.s32 $0x400;
	s26 =	sor.u32 $0x20, s10;
	s11 =	sadd.s32 $0x10, s24  }
0x45: {  	[hbm4b:s11+s3] =	stream.linear.scatter [tilespmem:s13], [sflag:$0x1], $0x40, $0x38;
	[tilespmem:$0x580] =	vst v63  }
0x46: {  	s29 =	simm.s32 $0x480;
	s10 =	sor.u32 $0x30, s10;
	s28 =	sadd.s32 s6, s26  }
0x47: {  	[hbm4b:s28+s3] =	stream.linear.scatter [tilespmem:s29], [sflag:$0x1], $0x40, $0x38;
	[tilespmem:$0x580] =	vst v63  }
0x48: {  	s30 =	simm.s32 $0x500;
	s31 =	simm.s32 $0x2;
	s6 =	sadd.s32 s6, s10  }
0x49: {  	[hbm4b:s6+s3] =	stream.linear.scatter [tilespmem:s30], [sflag:$0x1], $0x40, $0x38;
	[tilespmem:$0x580] =	vst v63  }
0x4a: {  	_ =	swait.ge [sflag:s31], $0x40  }
0x4b: {  	[sflag:s31] =	ssyncset.done $0x0  }
0x4c: {  	[sflag:s31] =	ssyncadd.s32 $0xFFFFFFC0  }
0x4d: {  	_ =	swait.ge [sflag:s31], $0x40  }
0x4e: {  	[sflag:s31] =	ssyncset.done $0x0  }
0x4f: {  	s4 =	sadd.s32 s4, s5;
	[sflag:s31] =	ssyncadd.s32 $0xFFFFFFC0  }
0x50: {  	[hbm4b:s4+s3] =	stream.linear.scatter [tilespmem:s20], [sflag:$0x1], $0x40, $0x38;
	[tilespmem:$0x580] =	vst v63  }
0x51: {  	s2 =	sadd.s32 s2, s5  }
0x52: {  	[hbm4b:s2+s3] =	stream.linear.scatter [tilespmem:s21], [sflag:$0x1], $0x40, $0x38;
	[tilespmem:$0x580] =	vst v63  }
0x53: {  	_ =	swait.ge [sflag:s22], $0x40  }
0x54: {  	[sflag:s22] =	ssyncset.done $0x0  }
0x55: {  	[sflag:s22] =	ssyncadd.s32 $0xFFFFFFC0  }
0x56: {  	_ =	swait.ge [sflag:s22], $0x40  }
0x57: {  	[sflag:s22] =	ssyncset.done $0x0  }
0x58: {  	[sflag:s22] =	ssyncadd.s32 $0xFFFFFFC0  }
0x59: {  	_ =	swait.ge [sflag:s22], $0x40  }
0x5a: {  	[sflag:s22] =	ssyncset.done $0x0  }
0x5b: {  	[sflag:s22] =	ssyncadd.s32 $0xFFFFFFC0  }
0x5c: {  	_ =	swait.ge [sflag:s22], $0x40  }
0x5d: {  	[sflag:s22] =	ssyncset.done $0x0  }
0x5e: {  	[sflag:s22] =	ssyncadd.s32 $0xFFFFFFC0  }
0x5f: {  	_ =	swait.ge [sflag:s22], $0x40  }
0x60: {  	[sflag:s22] =	ssyncset.done $0x0  }
0x61: {  	[sflag:s22] =	ssyncadd.s32 $0xFFFFFFC0  }
0x62: {  	_ =	swait.ge [sflag:s22], $0x40  }
0x63: {  	[sflag:s22] =	ssyncset.done $0x0  }
0x64: {  	[sflag:s22] =	ssyncadd.s32 $0xFFFFFFC0  }
0x65: {  	_ =	sfence.sel $0x180000  }
0x66: {  	[bflag:$0x0] =	sbarrier.arrive $0xFFFF  }
0x67: {  	p0 =	sne.s32 s1, $0x0;
	_ =	strace $0x90000047  }
0x68: {  	s0 =	sadd.s32 @!p0 $0x100000, s0;
	[bflag:$0x2] =	sbarrier.arrive $0xFFFF  }
0x69: {  	[sflag:s0] =	ssyncadd.tile.s32 @!p0 $0x1;
	_ =	shalt  }
.Lfunc_end2:
_tile_overlayer_lowered:
.L_overlay_start_2:
0x6a: {  	(tag) =	ssettag $0x2  }
0x6b: {  	s0 =	rddreg [dreg:$0x0];
	s2 =	stileid.u32  }
0x6c: {  	s1 =	rddreg [dreg:$0x1];
	p0 =	sne.s32 s2, $0x0  }
0x6d: {  	s3 =	rddreg [dreg:$0x2];
	[bflag:$0x3] =	sbarrier.arrive $0xFFFF;
	s2 =	simm.s32 @!p0 $0x1C03  }
0x6e: {  	[timem:s3], [sflag:s2] =	dma.local @!p0 [hbm:s0], s1  }
0x6f: {  	s0 =	simm.s32 @!p0 $0x3  }
0x70: {  	_ =	swait.ge @!p0 [sflag:s0], s1  }
0x71: {  	s1 =	ssub.s32 @!p0 $0x0, s1;
	[sflag:s0] =	ssyncset.done @!p0 $0x0  }
0x72: {  	[sflag:s0] =	ssyncadd.s32 @!p0 s1  }
0x73: {  	[bflag:$0x3] =	sbarrier.arrive $0xFFFF  }
0x74: {  	_ =	shalt  }

</sc_bundles>
